<compile_context>
chip_gen: v7x
topology: tpu7x:2x2x1
jax: 0.10.2.dev20260603
libtpu: 0.0.44.dev20260713+nightly
codegen_flags: <defaults>
</compile_context>

<pallas_src>
import functools

import jax
import jax.numpy as jnp
from jax import lax
from jax.experimental import pallas as pl
from jax.experimental.pallas import tpu as pltpu
from jax.experimental.pallas import tpu_sc as plsc

N = 10000
NPAD = 10240
E = 320000
D = 128

NC = 2
NS = 16
CHUNK = 125
NCHUNK = E // CHUNK
H_CHUNKS = NCHUNK // NS
A_CHUNKS = NCHUNK // (NC * NS)
RPT = NPAD // NS

_sc_mesh = plsc.VectorSubcoreMesh(core_axis_name="c", subcore_axis_name="s")


@functools.partial(
    pl.kernel,
    out_type=(jax.ShapeDtypeStruct((NPAD,), jnp.float32),
              jax.ShapeDtypeStruct((NPAD,), jnp.float32)),
    mesh=_sc_mesh,
    scratch_types=[
        pltpu.VMEM_SHARED((NPAD,), jnp.float32),
        pltpu.VMEM((H_CHUNKS, CHUNK), jnp.int32),
        pltpu.VMEM((CHUNK,), jnp.float32),
        pltpu.VMEM((RPT,), jnp.float32),
        pltpu.SemaphoreType.DMA,
    ],
)
def _degree_kernel(edge_hbm, zeros_hbm, ones_hbm, odeg_hbm, ideg_hbm,
                   deg_sh, ids_v, ones_v, stage_v, sem):
    c = lax.axis_index("c")
    s = lax.axis_index("s")

    pltpu.async_copy(edge_hbm.at[c, pl.ds(s * H_CHUNKS, H_CHUNKS), :], ids_v, sem)
    pltpu.sync_copy(zeros_hbm, stage_v)
    pltpu.sync_copy(stage_v, deg_sh.at[pl.ds(s * RPT, RPT)])
    pltpu.sync_copy(ones_hbm, ones_v)
    pltpu.make_async_copy(edge_hbm.at[c, pl.ds(s * H_CHUNKS, H_CHUNKS), :],
                          ids_v, sem).wait()
    plsc.subcore_barrier()

    def body(j, carry):
        @pl.when(j >= 16)
        def _():
            pltpu.make_async_copy(ones_v, deg_sh.at[ids_v.at[0]], sem).wait()

        pltpu.async_copy(ones_v, deg_sh.at[ids_v.at[j]], sem, add=True)
        return carry

    lax.fori_loop(0, H_CHUNKS, body, 0)

    def drain(j, carry):
        pltpu.make_async_copy(ones_v, deg_sh.at[ids_v.at[0]], sem).wait()
        return carry

    lax.fori_loop(0, 16, drain, 0)
    plsc.subcore_barrier()

    pltpu.sync_copy(deg_sh.at[pl.ds(s * RPT, RPT)], stage_v)

    @pl.when(c == 0)
    def _():
        pltpu.sync_copy(stage_v, odeg_hbm.at[pl.ds(s * RPT, RPT)])

    @pl.when(c == 1)
    def _():
        pltpu.sync_copy(stage_v, ideg_hbm.at[pl.ds(s * RPT, RPT)])


@functools.partial(
    pl.kernel,
    out_type=jax.ShapeDtypeStruct((NC, NPAD, D), jnp.float32),
    mesh=_sc_mesh,
    scratch_types=[
        pltpu.VMEM_SHARED((NPAD, D), jnp.float32),
        pltpu.VMEM((A_CHUNKS // 2, CHUNK), jnp.int32),
        pltpu.VMEM((A_CHUNKS // 2, CHUNK), jnp.int32),
        pltpu.VMEM((CHUNK, D), jnp.float32),
        pltpu.VMEM((CHUNK, D), jnp.float32),
        pltpu.SemaphoreType.DMA,
        pltpu.SemaphoreType.DMA,
        pltpu.SemaphoreType.DMA,
        pltpu.SemaphoreType.DMA,
    ],
)
def _agg_kernel(edge_hbm, h_hbm, zrows_hbm, part_hbm, agg_sh, src_v, dst_v,
                buf0, buf1, sem0, sem1, ssem0, ssem1):
    c = lax.axis_index("c")
    s = lax.axis_index("s")
    w = c * NS + s
    base = w * A_CHUNKS
    half = A_CHUNKS // 2

    pltpu.sync_copy(zrows_hbm, buf1.at[pl.ds(0, 80), :])

    def zbody(k, carry):
        pltpu.async_copy(buf1.at[pl.ds(0, 80), :],
                         agg_sh.at[pl.ds(s * RPT + k * 80, 80), :], sem1)
        return carry

    lax.fori_loop(0, RPT // 80, zbody, 0)

    pltpu.async_copy(edge_hbm.at[0, pl.ds(base, half), :], src_v, sem0)
    pltpu.async_copy(edge_hbm.at[1, pl.ds(base, half), :], dst_v, sem0)
    pltpu.make_async_copy(edge_hbm.at[0, pl.ds(base, half), :], src_v,
                          sem0).wait()
    pltpu.make_async_copy(edge_hbm.at[1, pl.ds(base, half), :], dst_v,
                          sem0).wait()
    pltpu.async_copy(h_hbm.at[src_v.at[0]], buf0, sem0)

    def zdrain(k, carry):
        pltpu.make_async_copy(buf1.at[pl.ds(0, 80), :],
                              agg_sh.at[pl.ds(s * RPT, 80), :], sem1).wait()
        return carry

    lax.fori_loop(0, RPT // 80, zdrain, 0)
    plsc.subcore_barrier()

    for hlf in range(2):
        if hlf > 0:
            pltpu.async_copy(edge_hbm.at[0, pl.ds(base + hlf * half, half), :],
                             src_v, sem0)
            pltpu.async_copy(edge_hbm.at[1, pl.ds(base + hlf * half, half), :],
                             dst_v, sem0)
            pltpu.make_async_copy(edge_hbm.at[0, pl.ds(base, half), :], src_v,
                                  sem0).wait()
            pltpu.make_async_copy(edge_hbm.at[1, pl.ds(base, half), :], dst_v,
                                  sem0).wait()
            pltpu.async_copy(h_hbm.at[src_v.at[0]], buf0, sem0)

        def body(i, carry):
            j0 = 2 * i
            pltpu.make_async_copy(h_hbm.at[src_v.at[0]], buf0, sem0).wait()
            pltpu.async_copy(buf0, agg_sh.at[dst_v.at[j0]], ssem0, add=True)

            @pl.when(i > 0)
            def _():
                pltpu.make_async_copy(buf1, agg_sh.at[dst_v.at[0]], ssem1).wait()

            pltpu.async_copy(h_hbm.at[src_v.at[j0 + 1]], buf1, sem1)
            pltpu.make_async_copy(h_hbm.at[src_v.at[0]], buf1, sem1).wait()
            pltpu.async_copy(buf1, agg_sh.at[dst_v.at[j0 + 1]], ssem1, add=True)

            pltpu.make_async_copy(buf0, agg_sh.at[dst_v.at[0]], ssem0).wait()

            @pl.when(i < half // 2 - 1)
            def _():
                pltpu.async_copy(h_hbm.at[src_v.at[j0 + 2]], buf0, sem0)

            return carry

        lax.fori_loop(0, half // 2, body, 0)
        pltpu.make_async_copy(buf1, agg_sh.at[dst_v.at[0]], ssem1).wait()

    plsc.subcore_barrier()

    pltpu.async_copy(agg_sh.at[pl.ds(s * RPT, 80), :],
                     buf0.at[pl.ds(0, 80), :], sem0)

    def obody(k2, carry):
        k = 2 * k2
        pltpu.make_async_copy(agg_sh.at[pl.ds(s * RPT, 80), :],
                              buf0.at[pl.ds(0, 80), :], sem0).wait()
        pltpu.async_copy(agg_sh.at[pl.ds(s * RPT + (k + 1) * 80, 80), :],
                         buf1.at[pl.ds(0, 80), :], sem1)
        pltpu.sync_copy(buf0.at[pl.ds(0, 80), :],
                        part_hbm.at[c, pl.ds(s * RPT + k * 80, 80), :])
        pltpu.make_async_copy(agg_sh.at[pl.ds(s * RPT, 80), :],
                              buf1.at[pl.ds(0, 80), :], sem1).wait()

        @pl.when(k2 < RPT // 160 - 1)
        def _():
            pltpu.async_copy(agg_sh.at[pl.ds(s * RPT + (k + 2) * 80, 80), :],
                             buf0.at[pl.ds(0, 80), :], sem0)

        pltpu.sync_copy(buf1.at[pl.ds(0, 80), :],
                        part_hbm.at[c, pl.ds(s * RPT + (k + 1) * 80, 80), :])
        return carry

    lax.fori_loop(0, RPT // 160, obody, 0)


def _h_body(x_ref, deg_ref, wr_ref, b_ref, h_ref, res_ref):
    inv = lax.rsqrt(jnp.maximum(deg_ref[...], 1.0))
    h_ref[...] = x_ref[...] * inv
    res_ref[...] = (
        jnp.dot(x_ref[...], wr_ref[...], preferred_element_type=jnp.float32)
        + b_ref[...]
    )


def _out_body(part_ref, indeg_ref, res_ref, wg_ref, out_ref):
    agg = (part_ref[0] + part_ref[1]) * lax.rsqrt(jnp.maximum(indeg_ref[...], 1.0))
    out_ref[...] = (
        jnp.dot(agg, wg_ref[...], preferred_element_type=jnp.float32)
        + res_ref[...]
    )


MBLK = 2000


def kernel(x, edge_index, W_gcn, b_gcn, W_res, b_res):
    edge_r = edge_index.astype(jnp.int32).reshape(2, NCHUNK, CHUNK)
    zeros640 = jnp.zeros((RPT,), jnp.float32)
    ones125 = jnp.ones((CHUNK,), jnp.float32)
    zrows = jnp.zeros((80, D), jnp.float32)

    out_deg, in_deg = _degree_kernel(edge_r, zeros640, ones125)
    out_deg2d = out_deg.reshape(NPAD, 1)
    in_deg2d = in_deg.reshape(NPAD, 1)

    bias = (b_gcn + b_res).reshape(1, D)
    h, res = pl.pallas_call(
        _h_body,
        grid=(N // MBLK,),
        in_specs=[
            pl.BlockSpec((MBLK, D), lambda i: (i, 0)),
            pl.BlockSpec((MBLK, 1), lambda i: (i, 0)),
            pl.BlockSpec((D, D), lambda i: (0, 0)),
            pl.BlockSpec((1, D), lambda i: (0, 0)),
        ],
        out_specs=[
            pl.BlockSpec((MBLK, D), lambda i: (i, 0)),
            pl.BlockSpec((MBLK, D), lambda i: (i, 0)),
        ],
        out_shape=[
            jax.ShapeDtypeStruct((N, D), jnp.float32),
            jax.ShapeDtypeStruct((N, D), jnp.float32),
        ],
    )(x, out_deg2d, W_res, bias)

    part = _agg_kernel(edge_r, h, zrows)

    out = pl.pallas_call(
        _out_body,
        grid=(N // MBLK,),
        in_specs=[
            pl.BlockSpec((NC, MBLK, D), lambda i: (0, i, 0)),
            pl.BlockSpec((MBLK, 1), lambda i: (i, 0)),
            pl.BlockSpec((MBLK, D), lambda i: (i, 0)),
            pl.BlockSpec((D, D), lambda i: (0, 0)),
        ],
        out_specs=pl.BlockSpec((MBLK, D), lambda i: (i, 0)),
        out_shape=jax.ShapeDtypeStruct((N, D), jnp.float32),
    )(part, in_deg2d, res, W_gcn)
    return out

# --- scband reference (transcript-rebuilt; emitter-appended) ---
"""Pipeline reference for scband-light-encoder-80693845557943 (READ-ONLY COPY).

The authoritative reference and input builder live on the scoring server;
editing this copy changes nothing except your own understanding.
"""

import jax, jax.numpy as jnp
import numpy as np

N_NODES = 10000
N_EDGES = 320000
D_IN = 128
D_OUT = 128


def setup_inputs(seed: int = 0) -> dict:
    key = jax.random.key(seed)
    k1, k2, k3, k4, k5, k6 = jax.random.split(key, 6)
    x = jax.random.normal(k1, (N_NODES, D_IN), dtype=jnp.float32)
    edge_index = jax.random.randint(k2, (2, N_EDGES), 0, N_NODES)
    # GraphConv weight (glorot) and bias
    W_gcn = jax.random.normal(k3, (D_IN, D_OUT), dtype=jnp.float32) * (1.0 / np.sqrt(D_IN))
    b_gcn = jnp.zeros((D_OUT,), dtype=jnp.float32)
    # residual Linear weight/bias (stored as [in, out] for x @ W)
    W_res = jax.random.normal(k4, (D_IN, D_OUT), dtype=jnp.float32) * (1.0 / np.sqrt(D_IN))
    b_res = jax.random.uniform(k5, (D_OUT,), dtype=jnp.float32, minval=-1.0 / np.sqrt(D_IN), maxval=1.0 / np.sqrt(D_IN))
    return {"x": x, "edge_index": edge_index, "W_gcn": W_gcn, "b_gcn": b_gcn, "W_res": W_res, "b_res": b_res}


def reference(x, edge_index, W_gcn, b_gcn, W_res, b_res):
    # DGL GraphConv with norm='both', allow_zero_in_degree=True:
    #   h = D_in^{-1/2} * A_sum( D_out^{-1/2} * x ) @ W + b
    src = edge_index[0]
    dst = edge_index[1]
    n = x.shape[0]
    ones = jnp.ones((src.shape[0],), dtype=x.dtype)
    out_deg = jax.ops.segment_sum(ones, src, num_segments=n)
    out_deg = jnp.maximum(out_deg, 1.0)
    norm_src = jnp.power(out_deg, -0.5)
    h = x * norm_src[:, None]
    # message passing: gather from src, scatter-add to dst
    msgs = jnp.take(h, src, axis=0)
    agg = jax.ops.segment_sum(msgs, dst, num_segments=n)
    in_deg = jax.ops.segment_sum(ones, dst, num_segments=n)
    in_deg = jnp.maximum(in_deg, 1.0)
    norm_dst = jnp.power(in_deg, -0.5)
    agg = agg * norm_dst[:, None]
    h_gcn = agg @ W_gcn + b_gcn
    # residual linear path
    h_res = x @ W_res + b_res
    return h_gcn + h_res

if __name__ == "__main__":
    import jax
    _d = setup_inputs()
    print(jax.jit(kernel)(*tuple(_d.values())))

</pallas_src>

<mosaic_0001>
#map = affine_map<(d0, d1) -> (0, 0, 0)>
#map1 = affine_map<(d0, d1) -> (0, 0)>
module attributes {stable_mosaic.version = 14 : i64} {
  func.func @_agg_kernel(%arg0: i32, %arg1: i32, %arg2: memref<2x2560x125xi32, #tpu.memory_space<hbm>>, %arg3: memref<10000x128xf32, #tpu.memory_space<hbm>>, %arg4: memref<80x128xf32, #tpu.memory_space<hbm>>, %arg5: memref<2x10240x128xf32, #tpu.memory_space<hbm>>, %arg6: memref<10240x128xf32, #tpu.memory_space<vmem_shared>>, %arg7: memref<40x125xi32, #tpu.memory_space<vmem>>, %arg8: memref<40x125xi32, #tpu.memory_space<vmem>>, %arg9: memref<125x128xf32, #tpu.memory_space<vmem>>, %arg10: memref<125x128xf32, #tpu.memory_space<vmem>>, %arg11: memref<!tpu.dma_semaphore, #tpu.memory_space<semaphore_mem>>, %arg12: memref<!tpu.dma_semaphore, #tpu.memory_space<semaphore_mem>>, %arg13: memref<!tpu.dma_semaphore, #tpu.memory_space<semaphore_mem>>, %arg14: memref<!tpu.dma_semaphore, #tpu.memory_space<semaphore_mem>>) attributes {dimension_semantics = [#tpu.dimension_semantics<core_parallel>, #tpu.dimension_semantics<subcore_parallel>], iteration_bounds = array<i64: 2, 16>, scalar_prefetch = 0 : i64, scratch_operands = 9 : i64, tpu.core_type = #tpu.core_type<sc_vector_subcore>, window_params = [{transform_indices = #map}, {transform_indices = #map1}, {transform_indices = #map1}, {transform_indices = #map}]} {
    %mul3A = arith.constant 16 : i32
    %mul3A_0 = arith.muli %arg0, %mul3A : i32
    %add3A = arith.addi %mul3A_0, %arg1 : i32
    %mul3A_1 = arith.constant 80 : i32
    %mul3A_2 = arith.muli %add3A, %mul3A_1 : i32
    "tpu.region"() ({
      %run_scoped3A = tpu.sem_alloc : memref<!tpu.dma_semaphore, #tpu.memory_space<semaphore_mem>>
      %dma_start3A_131 = arith.constant 0 : i32
      %dma_start3A_132 = arith.constant 0 : i32
      %dma_start3A_133 = tpu.memref_slice %arg10[%dma_start3A_131, %dma_start3A_132] : memref<125x128xf32, #tpu.memory_space<vmem>> -> memref<80x128xf32, #tpu.memory_space<vmem>>
      %dma_start3A_134 = arith.constant 0 : i32
      %dma_start3A_135 = arith.constant 0 : i32
      %dma_start3A_136 = tpu.memref_slice %arg10[%dma_start3A_134, %dma_start3A_135] : memref<125x128xf32, #tpu.memory_space<vmem>> -> memref<80x128xf32, #tpu.memory_space<vmem>>
      tpu.enqueue_dma source(%arg4 : memref<80x128xf32, #tpu.memory_space<hbm>>) target(%dma_start3A_136 : memref<80x128xf32, #tpu.memory_space<vmem>>) target_semaphore(%run_scoped3A : memref<!tpu.dma_semaphore, #tpu.memory_space<semaphore_mem>>)
      %dma_wait3A_137 = arith.constant 0 : i32
      %dma_wait3A_138 = arith.constant 0 : i32
      %dma_wait3A_139 = tpu.memref_slice %arg10[%dma_wait3A_137, %dma_wait3A_138] : memref<125x128xf32, #tpu.memory_space<vmem>> -> memref<80x128xf32, #tpu.memory_space<vmem>>
      %dma_wait3A_140 = arith.constant 0 : i32
      %dma_wait3A_141 = arith.constant 0 : i32
      %dma_wait3A_142 = tpu.memref_slice %arg10[%dma_wait3A_140, %dma_wait3A_141] : memref<125x128xf32, #tpu.memory_space<vmem>> -> memref<80x128xf32, #tpu.memory_space<vmem>>
      tpu.wait_dma2 semaphore(%run_scoped3A : memref<!tpu.dma_semaphore, #tpu.memory_space<semaphore_mem>>) src(%arg4 : memref<80x128xf32, #tpu.memory_space<hbm>>) dst(%dma_wait3A_142 : memref<80x128xf32, #tpu.memory_space<vmem>>)
      tpu.yield
    }) : () -> ()
    %scan3A = arith.constant 0 : i32
    %scan3A_3 = arith.constant 0 : i32
    %scan3A_4 = arith.constant 8 : i32
    %scan3A_5 = arith.addi %scan3A_3, %scan3A_4 : i32
    %scan3A_6 = arith.constant 1 : i32
    scf.for %scan3A_131 = %scan3A_3 to %scan3A_5 step %scan3A_6  : i32 {
      %mul3A_132 = arith.constant 640 : i32
      %mul3A_133 = arith.muli %arg1, %mul3A_132 : i32
      %mul3A_134 = arith.constant 80 : i32
      %mul3A_135 = arith.muli %scan3A_131, %mul3A_134 : i32
      %add3A_136 = arith.addi %mul3A_133, %mul3A_135 : i32
      %dma_start3A_137 = arith.constant 0 : i32
      %dma_start3A_138 = arith.constant 0 : i32
      %dma_start3A_139 = tpu.memref_slice %arg10[%dma_start3A_137, %dma_start3A_138] : memref<125x128xf32, #tpu.memory_space<vmem>> -> memref<80x128xf32, #tpu.memory_space<vmem>>
      %dma_start3A_140 = arith.constant 0 : i32
      %dma_start3A_141 = tpu.memref_slice %arg6[%add3A_136, %dma_start3A_140] : memref<10240x128xf32, #tpu.memory_space<vmem_shared>> -> memref<80x128xf32, #tpu.memory_space<vmem_shared>>
      %dma_start3A_142 = arith.constant 0 : i32
      %dma_start3A_143 = tpu.memref_slice %arg6[%add3A_136, %dma_start3A_142] : memref<10240x128xf32, #tpu.memory_space<vmem_shared>> -> memref<80x128xf32, #tpu.memory_space<vmem_shared>>
      %dma_start3A_144 = arith.constant 0 : i32
      %dma_start3A_145 = arith.constant 0 : i32
      %dma_start3A_146 = tpu.memref_slice %arg10[%dma_start3A_144, %dma_start3A_145] : memref<125x128xf32, #tpu.memory_space<vmem>> -> memref<80x128xf32, #tpu.memory_space<vmem>>
      tpu.enqueue_dma source(%dma_start3A_146 : memref<80x128xf32, #tpu.memory_space<vmem>>) target(%dma_start3A_143 : memref<80x128xf32, #tpu.memory_space<vmem_shared>>) target_semaphore(%arg12 : memref<!tpu.dma_semaphore, #tpu.memory_space<semaphore_mem>>)
    }
    %scan3A_7 = arith.constant 8 : i32
    %dma_start3A = arith.constant 0 : i32
    %dma_start3A_8 = arith.constant 0 : i32
    %dma_start3A_9 = tpu.memref_slice %arg2[%dma_start3A, %mul3A_2, %dma_start3A_8] : memref<2x2560x125xi32, #tpu.memory_space<hbm>> -> memref<1x40x125xi32, #tpu.memory_space<hbm>>
    %dma_start3A_10 = tpu.memref_squeeze %dma_start3A_9 : memref<1x40x125xi32, #tpu.memory_space<hbm>> -> memref<40x125xi32, #tpu.memory_space<hbm>>
    %dma_start3A_11 = arith.constant 0 : i32
    %dma_start3A_12 = tpu.memref_slice %arg2[%dma_start3A, %mul3A_2, %dma_start3A_11] : memref<2x2560x125xi32, #tpu.memory_space<hbm>> -> memref<1x40x125xi32, #tpu.memory_space<hbm>>
    %dma_start3A_13 = tpu.memref_squeeze %dma_start3A_12 : memref<1x40x125xi32, #tpu.memory_space<hbm>> -> memref<40x125xi32, #tpu.memory_space<hbm>>
    tpu.enqueue_dma source(%dma_start3A_13 : memref<40x125xi32, #tpu.memory_space<hbm>>) target(%arg7 : memref<40x125xi32, #tpu.memory_space<vmem>>) target_semaphore(%arg11 : memref<!tpu.dma_semaphore, #tpu.memory_space<semaphore_mem>>)
    %dma_start3A_14 = arith.constant 1 : i32
    %dma_start3A_15 = arith.constant 0 : i32
    %dma_start3A_16 = tpu.memref_slice %arg2[%dma_start3A_14, %mul3A_2, %dma_start3A_15] : memref<2x2560x125xi32, #tpu.memory_space<hbm>> -> memref<1x40x125xi32, #tpu.memory_space<hbm>>
    %dma_start3A_17 = tpu.memref_squeeze %dma_start3A_16 : memref<1x40x125xi32, #tpu.memory_space<hbm>> -> memref<40x125xi32, #tpu.memory_space<hbm>>
    %dma_start3A_18 = arith.constant 0 : i32
    %dma_start3A_19 = tpu.memref_slice %arg2[%dma_start3A_14, %mul3A_2, %dma_start3A_18] : memref<2x2560x125xi32, #tpu.memory_space<hbm>> -> memref<1x40x125xi32, #tpu.memory_space<hbm>>
    %dma_start3A_20 = tpu.memref_squeeze %dma_start3A_19 : memref<1x40x125xi32, #tpu.memory_space<hbm>> -> memref<40x125xi32, #tpu.memory_space<hbm>>
    tpu.enqueue_dma source(%dma_start3A_20 : memref<40x125xi32, #tpu.memory_space<hbm>>) target(%arg8 : memref<40x125xi32, #tpu.memory_space<vmem>>) target_semaphore(%arg11 : memref<!tpu.dma_semaphore, #tpu.memory_space<semaphore_mem>>)
    %dma_wait3A = arith.constant 0 : i32
    %dma_wait3A_21 = arith.constant 0 : i32
    %dma_wait3A_22 = tpu.memref_slice %arg2[%dma_wait3A, %mul3A_2, %dma_wait3A_21] : memref<2x2560x125xi32, #tpu.memory_space<hbm>> -> memref<1x40x125xi32, #tpu.memory_space<hbm>>
    %dma_wait3A_23 = tpu.memref_squeeze %dma_wait3A_22 : memref<1x40x125xi32, #tpu.memory_space<hbm>> -> memref<40x125xi32, #tpu.memory_space<hbm>>
    %dma_wait3A_24 = arith.constant 0 : i32
    %dma_wait3A_25 = tpu.memref_slice %arg2[%dma_wait3A, %mul3A_2, %dma_wait3A_24] : memref<2x2560x125xi32, #tpu.memory_space<hbm>> -> memref<1x40x125xi32, #tpu.memory_space<hbm>>
    %dma_wait3A_26 = tpu.memref_squeeze %dma_wait3A_25 : memref<1x40x125xi32, #tpu.memory_space<hbm>> -> memref<40x125xi32, #tpu.memory_space<hbm>>
    tpu.wait_dma2 semaphore(%arg11 : memref<!tpu.dma_semaphore, #tpu.memory_space<semaphore_mem>>) src(%dma_wait3A_26 : memref<40x125xi32, #tpu.memory_space<hbm>>) dst(%arg7 : memref<40x125xi32, #tpu.memory_space<vmem>>)
    %dma_wait3A_27 = arith.constant 1 : i32
    %dma_wait3A_28 = arith.constant 0 : i32
    %dma_wait3A_29 = tpu.memref_slice %arg2[%dma_wait3A_27, %mul3A_2, %dma_wait3A_28] : memref<2x2560x125xi32, #tpu.memory_space<hbm>> -> memref<1x40x125xi32, #tpu.memory_space<hbm>>
    %dma_wait3A_30 = tpu.memref_squeeze %dma_wait3A_29 : memref<1x40x125xi32, #tpu.memory_space<hbm>> -> memref<40x125xi32, #tpu.memory_space<hbm>>
    %dma_wait3A_31 = arith.constant 0 : i32
    %dma_wait3A_32 = tpu.memref_slice %arg2[%dma_wait3A_27, %mul3A_2, %dma_wait3A_31] : memref<2x2560x125xi32, #tpu.memory_space<hbm>> -> memref<1x40x125xi32, #tpu.memory_space<hbm>>
    %dma_wait3A_33 = tpu.memref_squeeze %dma_wait3A_32 : memref<1x40x125xi32, #tpu.memory_space<hbm>> -> memref<40x125xi32, #tpu.memory_space<hbm>>
    tpu.wait_dma2 semaphore(%arg11 : memref<!tpu.dma_semaphore, #tpu.memory_space<semaphore_mem>>) src(%dma_wait3A_33 : memref<40x125xi32, #tpu.memory_space<hbm>>) dst(%arg8 : memref<40x125xi32, #tpu.memory_space<vmem>>)
    %dma_start3A_34 = arith.constant 0 : i32
    %dma_start3A_35 = arith.constant 0 : i32
    %dma_start3A_36 = tpu.memref_slice %arg7[%dma_start3A_34, %dma_start3A_35] : memref<40x125xi32, #tpu.memory_space<vmem>> -> memref<1x125xi32, #tpu.memory_space<vmem>>
    %dma_start3A_37 = tpu.memref_squeeze %dma_start3A_36 : memref<1x125xi32, #tpu.memory_space<vmem>> -> memref<125xi32, #tpu.memory_space<vmem>>
    %dma_start3A_38 = arith.constant 0 : i32
    %dma_start3A_39 = arith.constant 0 : i32
    %dma_start3A_40 = tpu.memref_slice %arg3[%dma_start3A_38, %dma_start3A_39] : memref<10000x128xf32, #tpu.memory_space<hbm>> -> memref<10000x128xf32, #tpu.memory_space<hbm>>
    tpu.enqueue_indirect_dma source(%dma_start3A_40 : memref<10000x128xf32, #tpu.memory_space<hbm>>) target(%arg9 : memref<125x128xf32, #tpu.memory_space<vmem>>) offsets(%dma_start3A_37 : memref<125xi32, #tpu.memory_space<vmem>>) semaphore(%arg11 : memref<!tpu.dma_semaphore, #tpu.memory_space<semaphore_mem>>)
    %scan3A_41 = arith.constant 0 : i32
    %scan3A_42 = arith.constant 0 : i32
    %scan3A_43 = arith.constant 8 : i32
    %scan3A_44 = arith.addi %scan3A_42, %scan3A_43 : i32
    %scan3A_45 = arith.constant 1 : i32
    scf.for %scan3A_131 = %scan3A_42 to %scan3A_44 step %scan3A_45  : i32 {
      %mul3A_132 = arith.constant 640 : i32
      %mul3A_133 = arith.muli %arg1, %mul3A_132 : i32
      %dma_wait3A_134 = arith.constant 0 : i32
      %dma_wait3A_135 = arith.constant 0 : i32
      %dma_wait3A_136 = tpu.memref_slice %arg10[%dma_wait3A_134, %dma_wait3A_135] : memref<125x128xf32, #tpu.memory_space<vmem>> -> memref<80x128xf32, #tpu.memory_space<vmem>>
      %dma_wait3A_137 = arith.constant 0 : i32
      %dma_wait3A_138 = tpu.memref_slice %arg6[%mul3A_133, %dma_wait3A_137] : memref<10240x128xf32, #tpu.memory_space<vmem_shared>> -> memref<80x128xf32, #tpu.memory_space<vmem_shared>>
      %dma_wait3A_139 = arith.constant 0 : i32
      %dma_wait3A_140 = tpu.memref_slice %arg6[%mul3A_133, %dma_wait3A_139] : memref<10240x128xf32, #tpu.memory_space<vmem_shared>> -> memref<80x128xf32, #tpu.memory_space<vmem_shared>>
      %dma_wait3A_141 = arith.constant 0 : i32
      %dma_wait3A_142 = arith.constant 0 : i32
      %dma_wait3A_143 = tpu.memref_slice %arg10[%dma_wait3A_141, %dma_wait3A_142] : memref<125x128xf32, #tpu.memory_space<vmem>> -> memref<80x128xf32, #tpu.memory_space<vmem>>
      tpu.wait_dma2 semaphore(%arg12 : memref<!tpu.dma_semaphore, #tpu.memory_space<semaphore_mem>>) src(%dma_wait3A_143 : memref<80x128xf32, #tpu.memory_space<vmem>>) dst(%dma_wait3A_140 : memref<80x128xf32, #tpu.memory_space<vmem_shared>>)
    }
    %scan3A_46 = arith.constant 8 : i32
    %barrier3A = arith.constant 0 : index
    tpu.barrier barrier_id(%barrier3A)
    %scan3A_47 = arith.constant 0 : i32
    %scan3A_48 = arith.constant 0 : i32
    %scan3A_49 = arith.constant 20 : i32
    %scan3A_50 = arith.addi %scan3A_48, %scan3A_49 : i32
    %scan3A_51 = arith.constant 1 : i32
    scf.for %scan3A_131 = %scan3A_48 to %scan3A_50 step %scan3A_51  : i32 {
      %mul3A_132 = arith.constant 2 : i32
      %mul3A_133 = arith.muli %mul3A_132, %scan3A_131 : i32
      %dma_wait3A_134 = arith.constant 0 : i32
      %dma_wait3A_135 = arith.constant 0 : i32
      %dma_wait3A_136 = tpu.memref_slice %arg7[%dma_wait3A_134, %dma_wait3A_135] : memref<40x125xi32, #tpu.memory_space<vmem>> -> memref<1x125xi32, #tpu.memory_space<vmem>>
      %dma_wait3A_137 = tpu.memref_squeeze %dma_wait3A_136 : memref<1x125xi32, #tpu.memory_space<vmem>> -> memref<125xi32, #tpu.memory_space<vmem>>
      %dma_wait3A_138 = arith.constant 0 : i32
      %dma_wait3A_139 = arith.constant 0 : i32
      %dma_wait3A_140 = tpu.memref_slice %arg3[%dma_wait3A_138, %dma_wait3A_139] : memref<10000x128xf32, #tpu.memory_space<hbm>> -> memref<10000x128xf32, #tpu.memory_space<hbm>>
      tpu.wait_indirect_dma semaphore(%arg11 : memref<!tpu.dma_semaphore, #tpu.memory_space<semaphore_mem>>) src(%dma_wait3A_140 : memref<10000x128xf32, #tpu.memory_space<hbm>>) dst(%arg9 : memref<125x128xf32, #tpu.memory_space<vmem>>)
      %dma_start3A_141 = arith.constant 0 : i32
      %dma_start3A_142 = tpu.memref_slice %arg8[%mul3A_133, %dma_start3A_141] : memref<40x125xi32, #tpu.memory_space<vmem>> -> memref<1x125xi32, #tpu.memory_space<vmem>>
      %dma_start3A_143 = tpu.memref_squeeze %dma_start3A_142 : memref<1x125xi32, #tpu.memory_space<vmem>> -> memref<125xi32, #tpu.memory_space<vmem>>
      %dma_start3A_144 = arith.constant 0 : i32
      %dma_start3A_145 = arith.constant 0 : i32
      %dma_start3A_146 = tpu.memref_slice %arg6[%dma_start3A_144, %dma_start3A_145] : memref<10240x128xf32, #tpu.memory_space<vmem_shared>> -> memref<10240x128xf32, #tpu.memory_space<vmem_shared>>
      tpu.enqueue_indirect_dma source(%arg9 : memref<125x128xf32, #tpu.memory_space<vmem>>) target(%dma_start3A_146 : memref<10240x128xf32, #tpu.memory_space<vmem_shared>>) offsets(%dma_start3A_143 : memref<125xi32, #tpu.memory_space<vmem>>) semaphore(%arg13 : memref<!tpu.dma_semaphore, #tpu.memory_space<semaphore_mem>>) {add = true}
      %gt3A = arith.constant 0 : i32
      %gt3A_147 = arith.cmpi sgt, %scan3A_131, %gt3A : i32
      %convert_element_type3A = arith.extui %gt3A_147 : i1 to i32
      %cond3A = arith.constant 0 : i32
      %cond3A_148 = arith.cmpi ne, %convert_element_type3A, %cond3A : i32
      scf.if %cond3A_148 {
        %dma_wait3A_183 = arith.constant 0 : i32
        %dma_wait3A_184 = arith.constant 0 : i32
        %dma_wait3A_185 = tpu.memref_slice %arg8[%dma_wait3A_183, %dma_wait3A_184] : memref<40x125xi32, #tpu.memory_space<vmem>> -> memref<1x125xi32, #tpu.memory_space<vmem>>
        %dma_wait3A_186 = tpu.memref_squeeze %dma_wait3A_185 : memref<1x125xi32, #tpu.memory_space<vmem>> -> memref<125xi32, #tpu.memory_space<vmem>>
        %dma_wait3A_187 = arith.constant 0 : i32
        %dma_wait3A_188 = arith.constant 0 : i32
        %dma_wait3A_189 = tpu.memref_slice %arg6[%dma_wait3A_187, %dma_wait3A_188] : memref<10240x128xf32, #tpu.memory_space<vmem_shared>> -> memref<10240x128xf32, #tpu.memory_space<vmem_shared>>
        tpu.wait_indirect_dma semaphore(%arg14 : memref<!tpu.dma_semaphore, #tpu.memory_space<semaphore_mem>>) src(%arg10 : memref<125x128xf32, #tpu.memory_space<vmem>>) dst(%dma_wait3A_189 : memref<10240x128xf32, #tpu.memory_space<vmem_shared>>)
      } else {
      }
      %add3A_149 = arith.constant 1 : i32
      %add3A_150 = arith.addi %mul3A_133, %add3A_149 : i32
      %dma_start3A_151 = arith.constant 0 : i32
      %dma_start3A_152 = tpu.memref_slice %arg7[%add3A_150, %dma_start3A_151] : memref<40x125xi32, #tpu.memory_space<vmem>> -> memref<1x125xi32, #tpu.memory_space<vmem>>
      %dma_start3A_153 = tpu.memref_squeeze %dma_start3A_152 : memref<1x125xi32, #tpu.memory_space<vmem>> -> memref<125xi32, #tpu.memory_space<vmem>>
      %dma_start3A_154 = arith.constant 0 : i32
      %dma_start3A_155 = arith.constant 0 : i32
      %dma_start3A_156 = tpu.memref_slice %arg3[%dma_start3A_154, %dma_start3A_155] : memref<10000x128xf32, #tpu.memory_space<hbm>> -> memref<10000x128xf32, #tpu.memory_space<hbm>>
      tpu.enqueue_indirect_dma source(%dma_start3A_156 : memref<10000x128xf32, #tpu.memory_space<hbm>>) target(%arg10 : memref<125x128xf32, #tpu.memory_space<vmem>>) offsets(%dma_start3A_153 : memref<125xi32, #tpu.memory_space<vmem>>) semaphore(%arg12 : memref<!tpu.dma_semaphore, #tpu.memory_space<semaphore_mem>>)
      %dma_wait3A_157 = arith.constant 0 : i32
      %dma_wait3A_158 = arith.constant 0 : i32
      %dma_wait3A_159 = tpu.memref_slice %arg7[%dma_wait3A_157, %dma_wait3A_158] : memref<40x125xi32, #tpu.memory_space<vmem>> -> memref<1x125xi32, #tpu.memory_space<vmem>>
      %dma_wait3A_160 = tpu.memref_squeeze %dma_wait3A_159 : memref<1x125xi32, #tpu.memory_space<vmem>> -> memref<125xi32, #tpu.memory_space<vmem>>
      %dma_wait3A_161 = arith.constant 0 : i32
      %dma_wait3A_162 = arith.constant 0 : i32
      %dma_wait3A_163 = tpu.memref_slice %arg3[%dma_wait3A_161, %dma_wait3A_162] : memref<10000x128xf32, #tpu.memory_space<hbm>> -> memref<10000x128xf32, #tpu.memory_space<hbm>>
      tpu.wait_indirect_dma semaphore(%arg12 : memref<!tpu.dma_semaphore, #tpu.memory_space<semaphore_mem>>) src(%dma_wait3A_163 : memref<10000x128xf32, #tpu.memory_space<hbm>>) dst(%arg10 : memref<125x128xf32, #tpu.memory_space<vmem>>)
      %add3A_164 = arith.constant 1 : i32
      %add3A_165 = arith.addi %mul3A_133, %add3A_164 : i32
      %dma_start3A_166 = arith.constant 0 : i32
      %dma_start3A_167 = tpu.memref_slice %arg8[%add3A_165, %dma_start3A_166] : memref<40x125xi32, #tpu.memory_space<vmem>> -> memref<1x125xi32, #tpu.memory_space<vmem>>
      %dma_start3A_168 = tpu.memref_squeeze %dma_start3A_167 : memref<1x125xi32, #tpu.memory_space<vmem>> -> memref<125xi32, #tpu.memory_space<vmem>>
      %dma_start3A_169 = arith.constant 0 : i32
      %dma_start3A_170 = arith.constant 0 : i32
      %dma_start3A_171 = tpu.memref_slice %arg6[%dma_start3A_169, %dma_start3A_170] : memref<10240x128xf32, #tpu.memory_space<vmem_shared>> -> memref<10240x128xf32, #tpu.memory_space<vmem_shared>>
      tpu.enqueue_indirect_dma source(%arg10 : memref<125x128xf32, #tpu.memory_space<vmem>>) target(%dma_start3A_171 : memref<10240x128xf32, #tpu.memory_space<vmem_shared>>) offsets(%dma_start3A_168 : memref<125xi32, #tpu.memory_space<vmem>>) semaphore(%arg14 : memref<!tpu.dma_semaphore, #tpu.memory_space<semaphore_mem>>) {add = true}
      %dma_wait3A_172 = arith.constant 0 : i32
      %dma_wait3A_173 = arith.constant 0 : i32
      %dma_wait3A_174 = tpu.memref_slice %arg8[%dma_wait3A_172, %dma_wait3A_173] : memref<40x125xi32, #tpu.memory_space<vmem>> -> memref<1x125xi32, #tpu.memory_space<vmem>>
      %dma_wait3A_175 = tpu.memref_squeeze %dma_wait3A_174 : memref<1x125xi32, #tpu.memory_space<vmem>> -> memref<125xi32, #tpu.memory_space<vmem>>
      %dma_wait3A_176 = arith.constant 0 : i32
      %dma_wait3A_177 = arith.constant 0 : i32
      %dma_wait3A_178 = tpu.memref_slice %arg6[%dma_wait3A_176, %dma_wait3A_177] : memref<10240x128xf32, #tpu.memory_space<vmem_shared>> -> memref<10240x128xf32, #tpu.memory_space<vmem_shared>>
      tpu.wait_indirect_dma semaphore(%arg13 : memref<!tpu.dma_semaphore, #tpu.memory_space<semaphore_mem>>) src(%arg9 : memref<125x128xf32, #tpu.memory_space<vmem>>) dst(%dma_wait3A_178 : memref<10240x128xf32, #tpu.memory_space<vmem_shared>>)
      %lt3A = arith.constant 19 : i32
      %lt3A_179 = arith.cmpi slt, %scan3A_131, %lt3A : i32
      %convert_element_type3A_180 = arith.extui %lt3A_179 : i1 to i32
      %cond3A_181 = arith.constant 0 : i32
      %cond3A_182 = arith.cmpi ne, %convert_element_type3A_180, %cond3A_181 : i32
      scf.if %cond3A_182 {
        %add3A_183 = arith.constant 2 : i32
        %add3A_184 = arith.addi %mul3A_133, %add3A_183 : i32
        %dma_start3A_185 = arith.constant 0 : i32
        %dma_start3A_186 = tpu.memref_slice %arg7[%add3A_184, %dma_start3A_185] : memref<40x125xi32, #tpu.memory_space<vmem>> -> memref<1x125xi32, #tpu.memory_space<vmem>>
        %dma_start3A_187 = tpu.memref_squeeze %dma_start3A_186 : memref<1x125xi32, #tpu.memory_space<vmem>> -> memref<125xi32, #tpu.memory_space<vmem>>
        %dma_start3A_188 = arith.constant 0 : i32
        %dma_start3A_189 = arith.constant 0 : i32
        %dma_start3A_190 = tpu.memref_slice %arg3[%dma_start3A_188, %dma_start3A_189] : memref<10000x128xf32, #tpu.memory_space<hbm>> -> memref<10000x128xf32, #tpu.memory_space<hbm>>
        tpu.enqueue_indirect_dma source(%dma_start3A_190 : memref<10000x128xf32, #tpu.memory_space<hbm>>) target(%arg9 : memref<125x128xf32, #tpu.memory_space<vmem>>) offsets(%dma_start3A_187 : memref<125xi32, #tpu.memory_space<vmem>>) semaphore(%arg11 : memref<!tpu.dma_semaphore, #tpu.memory_space<semaphore_mem>>)
      } else {
      }
    }
    %scan3A_52 = arith.constant 20 : i32
    %dma_wait3A_53 = arith.constant 0 : i32
    %dma_wait3A_54 = arith.constant 0 : i32
    %dma_wait3A_55 = tpu.memref_slice %arg8[%dma_wait3A_53, %dma_wait3A_54] : memref<40x125xi32, #tpu.memory_space<vmem>> -> memref<1x125xi32, #tpu.memory_space<vmem>>
    %dma_wait3A_56 = tpu.memref_squeeze %dma_wait3A_55 : memref<1x125xi32, #tpu.memory_space<vmem>> -> memref<125xi32, #tpu.memory_space<vmem>>
    %dma_wait3A_57 = arith.constant 0 : i32
    %dma_wait3A_58 = arith.constant 0 : i32
    %dma_wait3A_59 = tpu.memref_slice %arg6[%dma_wait3A_57, %dma_wait3A_58] : memref<10240x128xf32, #tpu.memory_space<vmem_shared>> -> memref<10240x128xf32, #tpu.memory_space<vmem_shared>>
    tpu.wait_indirect_dma semaphore(%arg14 : memref<!tpu.dma_semaphore, #tpu.memory_space<semaphore_mem>>) src(%arg10 : memref<125x128xf32, #tpu.memory_space<vmem>>) dst(%dma_wait3A_59 : memref<10240x128xf32, #tpu.memory_space<vmem_shared>>)
    %add3A_60 = arith.constant 40 : i32
    %add3A_61 = arith.addi %mul3A_2, %add3A_60 : i32
    %dma_start3A_62 = arith.constant 0 : i32
    %dma_start3A_63 = arith.constant 0 : i32
    %dma_start3A_64 = tpu.memref_slice %arg2[%dma_start3A_62, %add3A_61, %dma_start3A_63] : memref<2x2560x125xi32, #tpu.memory_space<hbm>> -> memref<1x40x125xi32, #tpu.memory_space<hbm>>
    %dma_start3A_65 = tpu.memref_squeeze %dma_start3A_64 : memref<1x40x125xi32, #tpu.memory_space<hbm>> -> memref<40x125xi32, #tpu.memory_space<hbm>>
    %dma_start3A_66 = arith.constant 0 : i32
    %dma_start3A_67 = tpu.memref_slice %arg2[%dma_start3A_62, %add3A_61, %dma_start3A_66] : memref<2x2560x125xi32, #tpu.memory_space<hbm>> -> memref<1x40x125xi32, #tpu.memory_space<hbm>>
    %dma_start3A_68 = tpu.memref_squeeze %dma_start3A_67 : memref<1x40x125xi32, #tpu.memory_space<hbm>> -> memref<40x125xi32, #tpu.memory_space<hbm>>
    tpu.enqueue_dma source(%dma_start3A_68 : memref<40x125xi32, #tpu.memory_space<hbm>>) target(%arg7 : memref<40x125xi32, #tpu.memory_space<vmem>>) target_semaphore(%arg11 : memref<!tpu.dma_semaphore, #tpu.memory_space<semaphore_mem>>)
    %add3A_69 = arith.constant 40 : i32
    %add3A_70 = arith.addi %mul3A_2, %add3A_69 : i32
    %dma_start3A_71 = arith.constant 1 : i32
    %dma_start3A_72 = arith.constant 0 : i32
    %dma_start3A_73 = tpu.memref_slice %arg2[%dma_start3A_71, %add3A_70, %dma_start3A_72] : memref<2x2560x125xi32, #tpu.memory_space<hbm>> -> memref<1x40x125xi32, #tpu.memory_space<hbm>>
    %dma_start3A_74 = tpu.memref_squeeze %dma_start3A_73 : memref<1x40x125xi32, #tpu.memory_space<hbm>> -> memref<40x125xi32, #tpu.memory_space<hbm>>
    %dma_start3A_75 = arith.constant 0 : i32
    %dma_start3A_76 = tpu.memref_slice %arg2[%dma_start3A_71, %add3A_70, %dma_start3A_75] : memref<2x2560x125xi32, #tpu.memory_space<hbm>> -> memref<1x40x125xi32, #tpu.memory_space<hbm>>
    %dma_start3A_77 = tpu.memref_squeeze %dma_start3A_76 : memref<1x40x125xi32, #tpu.memory_space<hbm>> -> memref<40x125xi32, #tpu.memory_space<hbm>>
    tpu.enqueue_dma source(%dma_start3A_77 : memref<40x125xi32, #tpu.memory_space<hbm>>) target(%arg8 : memref<40x125xi32, #tpu.memory_space<vmem>>) target_semaphore(%arg11 : memref<!tpu.dma_semaphore, #tpu.memory_space<semaphore_mem>>)
    %dma_wait3A_78 = arith.constant 0 : i32
    %dma_wait3A_79 = arith.constant 0 : i32
    %dma_wait3A_80 = tpu.memref_slice %arg2[%dma_wait3A_78, %mul3A_2, %dma_wait3A_79] : memref<2x2560x125xi32, #tpu.memory_space<hbm>> -> memref<1x40x125xi32, #tpu.memory_space<hbm>>
    %dma_wait3A_81 = tpu.memref_squeeze %dma_wait3A_80 : memref<1x40x125xi32, #tpu.memory_space<hbm>> -> memref<40x125xi32, #tpu.memory_space<hbm>>
    %dma_wait3A_82 = arith.constant 0 : i32
    %dma_wait3A_83 = tpu.memref_slice %arg2[%dma_wait3A_78, %mul3A_2, %dma_wait3A_82] : memref<2x2560x125xi32, #tpu.memory_space<hbm>> -> memref<1x40x125xi32, #tpu.memory_space<hbm>>
    %dma_wait3A_84 = tpu.memref_squeeze %dma_wait3A_83 : memref<1x40x125xi32, #tpu.memory_space<hbm>> -> memref<40x125xi32, #tpu.memory_space<hbm>>
    tpu.wait_dma2 semaphore(%arg11 : memref<!tpu.dma_semaphore, #tpu.memory_space<semaphore_mem>>) src(%dma_wait3A_84 : memref<40x125xi32, #tpu.memory_space<hbm>>) dst(%arg7 : memref<40x125xi32, #tpu.memory_space<vmem>>)
    %dma_wait3A_85 = arith.constant 1 : i32
    %dma_wait3A_86 = arith.constant 0 : i32
    %dma_wait3A_87 = tpu.memref_slice %arg2[%dma_wait3A_85, %mul3A_2, %dma_wait3A_86] : memref<2x2560x125xi32, #tpu.memory_space<hbm>> -> memref<1x40x125xi32, #tpu.memory_space<hbm>>
    %dma_wait3A_88 = tpu.memref_squeeze %dma_wait3A_87 : memref<1x40x125xi32, #tpu.memory_space<hbm>> -> memref<40x125xi32, #tpu.memory_space<hbm>>
    %dma_wait3A_89 = arith.constant 0 : i32
    %dma_wait3A_90 = tpu.memref_slice %arg2[%dma_wait3A_85, %mul3A_2, %dma_wait3A_89] : memref<2x2560x125xi32, #tpu.memory_space<hbm>> -> memref<1x40x125xi32, #tpu.memory_space<hbm>>
    %dma_wait3A_91 = tpu.memref_squeeze %dma_wait3A_90 : memref<1x40x125xi32, #tpu.memory_space<hbm>> -> memref<40x125xi32, #tpu.memory_space<hbm>>
    tpu.wait_dma2 semaphore(%arg11 : memref<!tpu.dma_semaphore, #tpu.memory_space<semaphore_mem>>) src(%dma_wait3A_91 : memref<40x125xi32, #tpu.memory_space<hbm>>) dst(%arg8 : memref<40x125xi32, #tpu.memory_space<vmem>>)
    %dma_start3A_92 = arith.constant 0 : i32
    %dma_start3A_93 = arith.constant 0 : i32
    %dma_start3A_94 = tpu.memref_slice %arg7[%dma_start3A_92, %dma_start3A_93] : memref<40x125xi32, #tpu.memory_space<vmem>> -> memref<1x125xi32, #tpu.memory_space<vmem>>
    %dma_start3A_95 = tpu.memref_squeeze %dma_start3A_94 : memref<1x125xi32, #tpu.memory_space<vmem>> -> memref<125xi32, #tpu.memory_space<vmem>>
    %dma_start3A_96 = arith.constant 0 : i32
    %dma_start3A_97 = arith.constant 0 : i32
    %dma_start3A_98 = tpu.memref_slice %arg3[%dma_start3A_96, %dma_start3A_97] : memref<10000x128xf32, #tpu.memory_space<hbm>> -> memref<10000x128xf32, #tpu.memory_space<hbm>>
    tpu.enqueue_indirect_dma source(%dma_start3A_98 : memref<10000x128xf32, #tpu.memory_space<hbm>>) target(%arg9 : memref<125x128xf32, #tpu.memory_space<vmem>>) offsets(%dma_start3A_95 : memref<125xi32, #tpu.memory_space<vmem>>) semaphore(%arg11 : memref<!tpu.dma_semaphore, #tpu.memory_space<semaphore_mem>>)
    %scan3A_99 = arith.constant 0 : i32
    %scan3A_100 = arith.constant 0 : i32
    %scan3A_101 = arith.constant 20 : i32
    %scan3A_102 = arith.addi %scan3A_100, %scan3A_101 : i32
    %scan3A_103 = arith.constant 1 : i32
    scf.for %scan3A_131 = %scan3A_100 to %scan3A_102 step %scan3A_103  : i32 {
      %mul3A_132 = arith.constant 2 : i32
      %mul3A_133 = arith.muli %mul3A_132, %scan3A_131 : i32
      %dma_wait3A_134 = arith.constant 0 : i32
      %dma_wait3A_135 = arith.constant 0 : i32
      %dma_wait3A_136 = tpu.memref_slice %arg7[%dma_wait3A_134, %dma_wait3A_135] : memref<40x125xi32, #tpu.memory_space<vmem>> -> memref<1x125xi32, #tpu.memory_space<vmem>>
      %dma_wait3A_137 = tpu.memref_squeeze %dma_wait3A_136 : memref<1x125xi32, #tpu.memory_space<vmem>> -> memref<125xi32, #tpu.memory_space<vmem>>
      %dma_wait3A_138 = arith.constant 0 : i32
      %dma_wait3A_139 = arith.constant 0 : i32
      %dma_wait3A_140 = tpu.memref_slice %arg3[%dma_wait3A_138, %dma_wait3A_139] : memref<10000x128xf32, #tpu.memory_space<hbm>> -> memref<10000x128xf32, #tpu.memory_space<hbm>>
      tpu.wait_indirect_dma semaphore(%arg11 : memref<!tpu.dma_semaphore, #tpu.memory_space<semaphore_mem>>) src(%dma_wait3A_140 : memref<10000x128xf32, #tpu.memory_space<hbm>>) dst(%arg9 : memref<125x128xf32, #tpu.memory_space<vmem>>)
      %dma_start3A_141 = arith.constant 0 : i32
      %dma_start3A_142 = tpu.memref_slice %arg8[%mul3A_133, %dma_start3A_141] : memref<40x125xi32, #tpu.memory_space<vmem>> -> memref<1x125xi32, #tpu.memory_space<vmem>>
      %dma_start3A_143 = tpu.memref_squeeze %dma_start3A_142 : memref<1x125xi32, #tpu.memory_space<vmem>> -> memref<125xi32, #tpu.memory_space<vmem>>
      %dma_start3A_144 = arith.constant 0 : i32
      %dma_start3A_145 = arith.constant 0 : i32
      %dma_start3A_146 = tpu.memref_slice %arg6[%dma_start3A_144, %dma_start3A_145] : memref<10240x128xf32, #tpu.memory_space<vmem_shared>> -> memref<10240x128xf32, #tpu.memory_space<vmem_shared>>
      tpu.enqueue_indirect_dma source(%arg9 : memref<125x128xf32, #tpu.memory_space<vmem>>) target(%dma_start3A_146 : memref<10240x128xf32, #tpu.memory_space<vmem_shared>>) offsets(%dma_start3A_143 : memref<125xi32, #tpu.memory_space<vmem>>) semaphore(%arg13 : memref<!tpu.dma_semaphore, #tpu.memory_space<semaphore_mem>>) {add = true}
      %gt3A = arith.constant 0 : i32
      %gt3A_147 = arith.cmpi sgt, %scan3A_131, %gt3A : i32
      %convert_element_type3A = arith.extui %gt3A_147 : i1 to i32
      %cond3A = arith.constant 0 : i32
      %cond3A_148 = arith.cmpi ne, %convert_element_type3A, %cond3A : i32
      scf.if %cond3A_148 {
        %dma_wait3A_183 = arith.constant 0 : i32
        %dma_wait3A_184 = arith.constant 0 : i32
        %dma_wait3A_185 = tpu.memref_slice %arg8[%dma_wait3A_183, %dma_wait3A_184] : memref<40x125xi32, #tpu.memory_space<vmem>> -> memref<1x125xi32, #tpu.memory_space<vmem>>
        %dma_wait3A_186 = tpu.memref_squeeze %dma_wait3A_185 : memref<1x125xi32, #tpu.memory_space<vmem>> -> memref<125xi32, #tpu.memory_space<vmem>>
        %dma_wait3A_187 = arith.constant 0 : i32
        %dma_wait3A_188 = arith.constant 0 : i32
        %dma_wait3A_189 = tpu.memref_slice %arg6[%dma_wait3A_187, %dma_wait3A_188] : memref<10240x128xf32, #tpu.memory_space<vmem_shared>> -> memref<10240x128xf32, #tpu.memory_space<vmem_shared>>
        tpu.wait_indirect_dma semaphore(%arg14 : memref<!tpu.dma_semaphore, #tpu.memory_space<semaphore_mem>>) src(%arg10 : memref<125x128xf32, #tpu.memory_space<vmem>>) dst(%dma_wait3A_189 : memref<10240x128xf32, #tpu.memory_space<vmem_shared>>)
      } else {
      }
      %add3A_149 = arith.constant 1 : i32
      %add3A_150 = arith.addi %mul3A_133, %add3A_149 : i32
      %dma_start3A_151 = arith.constant 0 : i32
      %dma_start3A_152 = tpu.memref_slice %arg7[%add3A_150, %dma_start3A_151] : memref<40x125xi32, #tpu.memory_space<vmem>> -> memref<1x125xi32, #tpu.memory_space<vmem>>
      %dma_start3A_153 = tpu.memref_squeeze %dma_start3A_152 : memref<1x125xi32, #tpu.memory_space<vmem>> -> memref<125xi32, #tpu.memory_space<vmem>>
      %dma_start3A_154 = arith.constant 0 : i32
      %dma_start3A_155 = arith.constant 0 : i32
      %dma_start3A_156 = tpu.memref_slice %arg3[%dma_start3A_154, %dma_start3A_155] : memref<10000x128xf32, #tpu.memory_space<hbm>> -> memref<10000x128xf32, #tpu.memory_space<hbm>>
      tpu.enqueue_indirect_dma source(%dma_start3A_156 : memref<10000x128xf32, #tpu.memory_space<hbm>>) target(%arg10 : memref<125x128xf32, #tpu.memory_space<vmem>>) offsets(%dma_start3A_153 : memref<125xi32, #tpu.memory_space<vmem>>) semaphore(%arg12 : memref<!tpu.dma_semaphore, #tpu.memory_space<semaphore_mem>>)
      %dma_wait3A_157 = arith.constant 0 : i32
      %dma_wait3A_158 = arith.constant 0 : i32
      %dma_wait3A_159 = tpu.memref_slice %arg7[%dma_wait3A_157, %dma_wait3A_158] : memref<40x125xi32, #tpu.memory_space<vmem>> -> memref<1x125xi32, #tpu.memory_space<vmem>>
      %dma_wait3A_160 = tpu.memref_squeeze %dma_wait3A_159 : memref<1x125xi32, #tpu.memory_space<vmem>> -> memref<125xi32, #tpu.memory_space<vmem>>
      %dma_wait3A_161 = arith.constant 0 : i32
      %dma_wait3A_162 = arith.constant 0 : i32
      %dma_wait3A_163 = tpu.memref_slice %arg3[%dma_wait3A_161, %dma_wait3A_162] : memref<10000x128xf32, #tpu.memory_space<hbm>> -> memref<10000x128xf32, #tpu.memory_space<hbm>>
      tpu.wait_indirect_dma semaphore(%arg12 : memref<!tpu.dma_semaphore, #tpu.memory_space<semaphore_mem>>) src(%dma_wait3A_163 : memref<10000x128xf32, #tpu.memory_space<hbm>>) dst(%arg10 : memref<125x128xf32, #tpu.memory_space<vmem>>)
      %add3A_164 = arith.constant 1 : i32
      %add3A_165 = arith.addi %mul3A_133, %add3A_164 : i32
      %dma_start3A_166 = arith.constant 0 : i32
      %dma_start3A_167 = tpu.memref_slice %arg8[%add3A_165, %dma_start3A_166] : memref<40x125xi32, #tpu.memory_space<vmem>> -> memref<1x125xi32, #tpu.memory_space<vmem>>
      %dma_start3A_168 = tpu.memref_squeeze %dma_start3A_167 : memref<1x125xi32, #tpu.memory_space<vmem>> -> memref<125xi32, #tpu.memory_space<vmem>>
      %dma_start3A_169 = arith.constant 0 : i32
      %dma_start3A_170 = arith.constant 0 : i32
      %dma_start3A_171 = tpu.memref_slice %arg6[%dma_start3A_169, %dma_start3A_170] : memref<10240x128xf32, #tpu.memory_space<vmem_shared>> -> memref<10240x128xf32, #tpu.memory_space<vmem_shared>>
      tpu.enqueue_indirect_dma source(%arg10 : memref<125x128xf32, #tpu.memory_space<vmem>>) target(%dma_start3A_171 : memref<10240x128xf32, #tpu.memory_space<vmem_shared>>) offsets(%dma_start3A_168 : memref<125xi32, #tpu.memory_space<vmem>>) semaphore(%arg14 : memref<!tpu.dma_semaphore, #tpu.memory_space<semaphore_mem>>) {add = true}
      %dma_wait3A_172 = arith.constant 0 : i32
      %dma_wait3A_173 = arith.constant 0 : i32
      %dma_wait3A_174 = tpu.memref_slice %arg8[%dma_wait3A_172, %dma_wait3A_173] : memref<40x125xi32, #tpu.memory_space<vmem>> -> memref<1x125xi32, #tpu.memory_space<vmem>>
      %dma_wait3A_175 = tpu.memref_squeeze %dma_wait3A_174 : memref<1x125xi32, #tpu.memory_space<vmem>> -> memref<125xi32, #tpu.memory_space<vmem>>
      %dma_wait3A_176 = arith.constant 0 : i32
      %dma_wait3A_177 = arith.constant 0 : i32
      %dma_wait3A_178 = tpu.memref_slice %arg6[%dma_wait3A_176, %dma_wait3A_177] : memref<10240x128xf32, #tpu.memory_space<vmem_shared>> -> memref<10240x128xf32, #tpu.memory_space<vmem_shared>>
      tpu.wait_indirect_dma semaphore(%arg13 : memref<!tpu.dma_semaphore, #tpu.memory_space<semaphore_mem>>) src(%arg9 : memref<125x128xf32, #tpu.memory_space<vmem>>) dst(%dma_wait3A_178 : memref<10240x128xf32, #tpu.memory_space<vmem_shared>>)
      %lt3A = arith.constant 19 : i32
      %lt3A_179 = arith.cmpi slt, %scan3A_131, %lt3A : i32
      %convert_element_type3A_180 = arith.extui %lt3A_179 : i1 to i32
      %cond3A_181 = arith.constant 0 : i32
      %cond3A_182 = arith.cmpi ne, %convert_element_type3A_180, %cond3A_181 : i32
      scf.if %cond3A_182 {
        %add3A_183 = arith.constant 2 : i32
        %add3A_184 = arith.addi %mul3A_133, %add3A_183 : i32
        %dma_start3A_185 = arith.constant 0 : i32
        %dma_start3A_186 = tpu.memref_slice %arg7[%add3A_184, %dma_start3A_185] : memref<40x125xi32, #tpu.memory_space<vmem>> -> memref<1x125xi32, #tpu.memory_space<vmem>>
        %dma_start3A_187 = tpu.memref_squeeze %dma_start3A_186 : memref<1x125xi32, #tpu.memory_space<vmem>> -> memref<125xi32, #tpu.memory_space<vmem>>
        %dma_start3A_188 = arith.constant 0 : i32
        %dma_start3A_189 = arith.constant 0 : i32
        %dma_start3A_190 = tpu.memref_slice %arg3[%dma_start3A_188, %dma_start3A_189] : memref<10000x128xf32, #tpu.memory_space<hbm>> -> memref<10000x128xf32, #tpu.memory_space<hbm>>
        tpu.enqueue_indirect_dma source(%dma_start3A_190 : memref<10000x128xf32, #tpu.memory_space<hbm>>) target(%arg9 : memref<125x128xf32, #tpu.memory_space<vmem>>) offsets(%dma_start3A_187 : memref<125xi32, #tpu.memory_space<vmem>>) semaphore(%arg11 : memref<!tpu.dma_semaphore, #tpu.memory_space<semaphore_mem>>)
      } else {
      }
    }
    %scan3A_104 = arith.constant 20 : i32
    %dma_wait3A_105 = arith.constant 0 : i32
    %dma_wait3A_106 = arith.constant 0 : i32
    %dma_wait3A_107 = tpu.memref_slice %arg8[%dma_wait3A_105, %dma_wait3A_106] : memref<40x125xi32, #tpu.memory_space<vmem>> -> memref<1x125xi32, #tpu.memory_space<vmem>>
    %dma_wait3A_108 = tpu.memref_squeeze %dma_wait3A_107 : memref<1x125xi32, #tpu.memory_space<vmem>> -> memref<125xi32, #tpu.memory_space<vmem>>
    %dma_wait3A_109 = arith.constant 0 : i32
    %dma_wait3A_110 = arith.constant 0 : i32
    %dma_wait3A_111 = tpu.memref_slice %arg6[%dma_wait3A_109, %dma_wait3A_110] : memref<10240x128xf32, #tpu.memory_space<vmem_shared>> -> memref<10240x128xf32, #tpu.memory_space<vmem_shared>>
    tpu.wait_indirect_dma semaphore(%arg14 : memref<!tpu.dma_semaphore, #tpu.memory_space<semaphore_mem>>) src(%arg10 : memref<125x128xf32, #tpu.memory_space<vmem>>) dst(%dma_wait3A_111 : memref<10240x128xf32, #tpu.memory_space<vmem_shared>>)
    %barrier3A_112 = arith.constant 0 : index
    tpu.barrier barrier_id(%barrier3A_112)
    %mul3A_113 = arith.constant 640 : i32
    %mul3A_114 = arith.muli %arg1, %mul3A_113 : i32
    %dma_start3A_115 = arith.constant 0 : i32
    %dma_start3A_116 = arith.constant 0 : i32
    %dma_start3A_117 = tpu.memref_slice %arg9[%dma_start3A_115, %dma_start3A_116] : memref<125x128xf32, #tpu.memory_space<vmem>> -> memref<80x128xf32, #tpu.memory_space<vmem>>
    %dma_start3A_118 = arith.constant 0 : i32
    %dma_start3A_119 = tpu.memref_slice %arg6[%mul3A_114, %dma_start3A_118] : memref<10240x128xf32, #tpu.memory_space<vmem_shared>> -> memref<80x128xf32, #tpu.memory_space<vmem_shared>>
    %dma_start3A_120 = arith.constant 0 : i32
    %dma_start3A_121 = arith.constant 0 : i32
    %dma_start3A_122 = tpu.memref_slice %arg9[%dma_start3A_120, %dma_start3A_121] : memref<125x128xf32, #tpu.memory_space<vmem>> -> memref<80x128xf32, #tpu.memory_space<vmem>>
    %dma_start3A_123 = arith.constant 0 : i32
    %dma_start3A_124 = tpu.memref_slice %arg6[%mul3A_114, %dma_start3A_123] : memref<10240x128xf32, #tpu.memory_space<vmem_shared>> -> memref<80x128xf32, #tpu.memory_space<vmem_shared>>
    tpu.enqueue_dma source(%dma_start3A_124 : memref<80x128xf32, #tpu.memory_space<vmem_shared>>) target(%dma_start3A_122 : memref<80x128xf32, #tpu.memory_space<vmem>>) target_semaphore(%arg11 : memref<!tpu.dma_semaphore, #tpu.memory_space<semaphore_mem>>)
    %scan3A_125 = arith.constant 0 : i32
    %scan3A_126 = arith.constant 0 : i32
    %scan3A_127 = arith.constant 4 : i32
    %scan3A_128 = arith.addi %scan3A_126, %scan3A_127 : i32
    %scan3A_129 = arith.constant 1 : i32
    scf.for %scan3A_131 = %scan3A_126 to %scan3A_128 step %scan3A_129  : i32 {
      %mul3A_132 = arith.constant 2 : i32
      %mul3A_133 = arith.muli %mul3A_132, %scan3A_131 : i32
      %mul3A_134 = arith.constant 640 : i32
      %mul3A_135 = arith.muli %arg1, %mul3A_134 : i32
      %dma_wait3A_136 = arith.constant 0 : i32
      %dma_wait3A_137 = arith.constant 0 : i32
      %dma_wait3A_138 = tpu.memref_slice %arg9[%dma_wait3A_136, %dma_wait3A_137] : memref<125x128xf32, #tpu.memory_space<vmem>> -> memref<80x128xf32, #tpu.memory_space<vmem>>
      %dma_wait3A_139 = arith.constant 0 : i32
      %dma_wait3A_140 = tpu.memref_slice %arg6[%mul3A_135, %dma_wait3A_139] : memref<10240x128xf32, #tpu.memory_space<vmem_shared>> -> memref<80x128xf32, #tpu.memory_space<vmem_shared>>
      %dma_wait3A_141 = arith.constant 0 : i32
      %dma_wait3A_142 = arith.constant 0 : i32
      %dma_wait3A_143 = tpu.memref_slice %arg9[%dma_wait3A_141, %dma_wait3A_142] : memref<125x128xf32, #tpu.memory_space<vmem>> -> memref<80x128xf32, #tpu.memory_space<vmem>>
      %dma_wait3A_144 = arith.constant 0 : i32
      %dma_wait3A_145 = tpu.memref_slice %arg6[%mul3A_135, %dma_wait3A_144] : memref<10240x128xf32, #tpu.memory_space<vmem_shared>> -> memref<80x128xf32, #tpu.memory_space<vmem_shared>>
      tpu.wait_dma2 semaphore(%arg11 : memref<!tpu.dma_semaphore, #tpu.memory_space<semaphore_mem>>) src(%dma_wait3A_145 : memref<80x128xf32, #tpu.memory_space<vmem_shared>>) dst(%dma_wait3A_143 : memref<80x128xf32, #tpu.memory_space<vmem>>)
      %mul3A_146 = arith.constant 640 : i32
      %mul3A_147 = arith.muli %arg1, %mul3A_146 : i32
      %add3A_148 = arith.constant 1 : i32
      %add3A_149 = arith.addi %mul3A_133, %add3A_148 : i32
      %mul3A_150 = arith.constant 80 : i32
      %mul3A_151 = arith.muli %add3A_149, %mul3A_150 : i32
      %add3A_152 = arith.addi %mul3A_147, %mul3A_151 : i32
      %dma_start3A_153 = arith.constant 0 : i32
      %dma_start3A_154 = arith.constant 0 : i32
      %dma_start3A_155 = tpu.memref_slice %arg10[%dma_start3A_153, %dma_start3A_154] : memref<125x128xf32, #tpu.memory_space<vmem>> -> memref<80x128xf32, #tpu.memory_space<vmem>>
      %dma_start3A_156 = arith.constant 0 : i32
      %dma_start3A_157 = tpu.memref_slice %arg6[%add3A_152, %dma_start3A_156] : memref<10240x128xf32, #tpu.memory_space<vmem_shared>> -> memref<80x128xf32, #tpu.memory_space<vmem_shared>>
      %dma_start3A_158 = arith.constant 0 : i32
      %dma_start3A_159 = arith.constant 0 : i32
      %dma_start3A_160 = tpu.memref_slice %arg10[%dma_start3A_158, %dma_start3A_159] : memref<125x128xf32, #tpu.memory_space<vmem>> -> memref<80x128xf32, #tpu.memory_space<vmem>>
      %dma_start3A_161 = arith.constant 0 : i32
      %dma_start3A_162 = tpu.memref_slice %arg6[%add3A_152, %dma_start3A_161] : memref<10240x128xf32, #tpu.memory_space<vmem_shared>> -> memref<80x128xf32, #tpu.memory_space<vmem_shared>>
      tpu.enqueue_dma source(%dma_start3A_162 : memref<80x128xf32, #tpu.memory_space<vmem_shared>>) target(%dma_start3A_160 : memref<80x128xf32, #tpu.memory_space<vmem>>) target_semaphore(%arg12 : memref<!tpu.dma_semaphore, #tpu.memory_space<semaphore_mem>>)
      %mul3A_163 = arith.constant 640 : i32
      %mul3A_164 = arith.muli %arg1, %mul3A_163 : i32
      %mul3A_165 = arith.constant 80 : i32
      %mul3A_166 = arith.muli %mul3A_133, %mul3A_165 : i32
      %add3A_167 = arith.addi %mul3A_164, %mul3A_166 : i32
      "tpu.region"() ({
        %run_scoped3A = tpu.sem_alloc : memref<!tpu.dma_semaphore, #tpu.memory_space<semaphore_mem>>
        %dma_start3A_189 = arith.constant 0 : i32
        %dma_start3A_190 = arith.constant 0 : i32
        %dma_start3A_191 = tpu.memref_slice %arg9[%dma_start3A_189, %dma_start3A_190] : memref<125x128xf32, #tpu.memory_space<vmem>> -> memref<80x128xf32, #tpu.memory_space<vmem>>
        %dma_start3A_192 = arith.constant 0 : i32
        %dma_start3A_193 = tpu.memref_slice %arg5[%arg0, %add3A_167, %dma_start3A_192] : memref<2x10240x128xf32, #tpu.memory_space<hbm>> -> memref<1x80x128xf32, #tpu.memory_space<hbm>>
        %dma_start3A_194 = tpu.memref_squeeze %dma_start3A_193 : memref<1x80x128xf32, #tpu.memory_space<hbm>> -> memref<80x128xf32, #tpu.memory_space<hbm>>
        %dma_start3A_195 = arith.constant 0 : i32
        %dma_start3A_196 = tpu.memref_slice %arg5[%arg0, %add3A_167, %dma_start3A_195] : memref<2x10240x128xf32, #tpu.memory_space<hbm>> -> memref<1x80x128xf32, #tpu.memory_space<hbm>>
        %dma_start3A_197 = tpu.memref_squeeze %dma_start3A_196 : memref<1x80x128xf32, #tpu.memory_space<hbm>> -> memref<80x128xf32, #tpu.memory_space<hbm>>
        %dma_start3A_198 = arith.constant 0 : i32
        %dma_start3A_199 = arith.constant 0 : i32
        %dma_start3A_200 = tpu.memref_slice %arg9[%dma_start3A_198, %dma_start3A_199] : memref<125x128xf32, #tpu.memory_space<vmem>> -> memref<80x128xf32, #tpu.memory_space<vmem>>
        tpu.enqueue_dma source(%dma_start3A_200 : memref<80x128xf32, #tpu.memory_space<vmem>>) target(%dma_start3A_197 : memref<80x128xf32, #tpu.memory_space<hbm>>) target_semaphore(%run_scoped3A : memref<!tpu.dma_semaphore, #tpu.memory_space<semaphore_mem>>)
        %dma_wait3A_201 = arith.constant 0 : i32
        %dma_wait3A_202 = arith.constant 0 : i32
        %dma_wait3A_203 = tpu.memref_slice %arg9[%dma_wait3A_201, %dma_wait3A_202] : memref<125x128xf32, #tpu.memory_space<vmem>> -> memref<80x128xf32, #tpu.memory_space<vmem>>
        %dma_wait3A_204 = arith.constant 0 : i32
        %dma_wait3A_205 = tpu.memref_slice %arg5[%arg0, %add3A_167, %dma_wait3A_204] : memref<2x10240x128xf32, #tpu.memory_space<hbm>> -> memref<1x80x128xf32, #tpu.memory_space<hbm>>
        %dma_wait3A_206 = tpu.memref_squeeze %dma_wait3A_205 : memref<1x80x128xf32, #tpu.memory_space<hbm>> -> memref<80x128xf32, #tpu.memory_space<hbm>>
        %dma_wait3A_207 = arith.constant 0 : i32
        %dma_wait3A_208 = tpu.memref_slice %arg5[%arg0, %add3A_167, %dma_wait3A_207] : memref<2x10240x128xf32, #tpu.memory_space<hbm>> -> memref<1x80x128xf32, #tpu.memory_space<hbm>>
        %dma_wait3A_209 = tpu.memref_squeeze %dma_wait3A_208 : memref<1x80x128xf32, #tpu.memory_space<hbm>> -> memref<80x128xf32, #tpu.memory_space<hbm>>
        %dma_wait3A_210 = arith.constant 0 : i32
        %dma_wait3A_211 = arith.constant 0 : i32
        %dma_wait3A_212 = tpu.memref_slice %arg9[%dma_wait3A_210, %dma_wait3A_211] : memref<125x128xf32, #tpu.memory_space<vmem>> -> memref<80x128xf32, #tpu.memory_space<vmem>>
        tpu.wait_dma2 semaphore(%run_scoped3A : memref<!tpu.dma_semaphore, #tpu.memory_space<semaphore_mem>>) src(%dma_wait3A_212 : memref<80x128xf32, #tpu.memory_space<vmem>>) dst(%dma_wait3A_209 : memref<80x128xf32, #tpu.memory_space<hbm>>)
        tpu.yield
      }) : () -> ()
      %mul3A_168 = arith.constant 640 : i32
      %mul3A_169 = arith.muli %arg1, %mul3A_168 : i32
      %dma_wait3A_170 = arith.constant 0 : i32
      %dma_wait3A_171 = arith.constant 0 : i32
      %dma_wait3A_172 = tpu.memref_slice %arg10[%dma_wait3A_170, %dma_wait3A_171] : memref<125x128xf32, #tpu.memory_space<vmem>> -> memref<80x128xf32, #tpu.memory_space<vmem>>
      %dma_wait3A_173 = arith.constant 0 : i32
      %dma_wait3A_174 = tpu.memref_slice %arg6[%mul3A_169, %dma_wait3A_173] : memref<10240x128xf32, #tpu.memory_space<vmem_shared>> -> memref<80x128xf32, #tpu.memory_space<vmem_shared>>
      %dma_wait3A_175 = arith.constant 0 : i32
      %dma_wait3A_176 = arith.constant 0 : i32
      %dma_wait3A_177 = tpu.memref_slice %arg10[%dma_wait3A_175, %dma_wait3A_176] : memref<125x128xf32, #tpu.memory_space<vmem>> -> memref<80x128xf32, #tpu.memory_space<vmem>>
      %dma_wait3A_178 = arith.constant 0 : i32
      %dma_wait3A_179 = tpu.memref_slice %arg6[%mul3A_169, %dma_wait3A_178] : memref<10240x128xf32, #tpu.memory_space<vmem_shared>> -> memref<80x128xf32, #tpu.memory_space<vmem_shared>>
      tpu.wait_dma2 semaphore(%arg12 : memref<!tpu.dma_semaphore, #tpu.memory_space<semaphore_mem>>) src(%dma_wait3A_179 : memref<80x128xf32, #tpu.memory_space<vmem_shared>>) dst(%dma_wait3A_177 : memref<80x128xf32, #tpu.memory_space<vmem>>)
      %lt3A = arith.constant 3 : i32
      %lt3A_180 = arith.cmpi slt, %scan3A_131, %lt3A : i32
      %convert_element_type3A = arith.extui %lt3A_180 : i1 to i32
      %cond3A = arith.constant 0 : i32
      %cond3A_181 = arith.cmpi ne, %convert_element_type3A, %cond3A : i32
      scf.if %cond3A_181 {
        %mul3A_189 = arith.constant 640 : i32
        %mul3A_190 = arith.muli %arg1, %mul3A_189 : i32
        %add3A_191 = arith.constant 2 : i32
        %add3A_192 = arith.addi %mul3A_133, %add3A_191 : i32
        %mul3A_193 = arith.constant 80 : i32
        %mul3A_194 = arith.muli %add3A_192, %mul3A_193 : i32
        %add3A_195 = arith.addi %mul3A_190, %mul3A_194 : i32
        %dma_start3A_196 = arith.constant 0 : i32
        %dma_start3A_197 = arith.constant 0 : i32
        %dma_start3A_198 = tpu.memref_slice %arg9[%dma_start3A_196, %dma_start3A_197] : memref<125x128xf32, #tpu.memory_space<vmem>> -> memref<80x128xf32, #tpu.memory_space<vmem>>
        %dma_start3A_199 = arith.constant 0 : i32
        %dma_start3A_200 = tpu.memref_slice %arg6[%add3A_195, %dma_start3A_199] : memref<10240x128xf32, #tpu.memory_space<vmem_shared>> -> memref<80x128xf32, #tpu.memory_space<vmem_shared>>
        %dma_start3A_201 = arith.constant 0 : i32
        %dma_start3A_202 = arith.constant 0 : i32
        %dma_start3A_203 = tpu.memref_slice %arg9[%dma_start3A_201, %dma_start3A_202] : memref<125x128xf32, #tpu.memory_space<vmem>> -> memref<80x128xf32, #tpu.memory_space<vmem>>
        %dma_start3A_204 = arith.constant 0 : i32
        %dma_start3A_205 = tpu.memref_slice %arg6[%add3A_195, %dma_start3A_204] : memref<10240x128xf32, #tpu.memory_space<vmem_shared>> -> memref<80x128xf32, #tpu.memory_space<vmem_shared>>
        tpu.enqueue_dma source(%dma_start3A_205 : memref<80x128xf32, #tpu.memory_space<vmem_shared>>) target(%dma_start3A_203 : memref<80x128xf32, #tpu.memory_space<vmem>>) target_semaphore(%arg11 : memref<!tpu.dma_semaphore, #tpu.memory_space<semaphore_mem>>)
      } else {
      }
      %mul3A_182 = arith.constant 640 : i32
      %mul3A_183 = arith.muli %arg1, %mul3A_182 : i32
      %add3A_184 = arith.constant 1 : i32
      %add3A_185 = arith.addi %mul3A_133, %add3A_184 : i32
      %mul3A_186 = arith.constant 80 : i32
      %mul3A_187 = arith.muli %add3A_185, %mul3A_186 : i32
      %add3A_188 = arith.addi %mul3A_183, %mul3A_187 : i32
      "tpu.region"() ({
        %run_scoped3A = tpu.sem_alloc : memref<!tpu.dma_semaphore, #tpu.memory_space<semaphore_mem>>
        %dma_start3A_189 = arith.constant 0 : i32
        %dma_start3A_190 = arith.constant 0 : i32
        %dma_start3A_191 = tpu.memref_slice %arg10[%dma_start3A_189, %dma_start3A_190] : memref<125x128xf32, #tpu.memory_space<vmem>> -> memref<80x128xf32, #tpu.memory_space<vmem>>
        %dma_start3A_192 = arith.constant 0 : i32
        %dma_start3A_193 = tpu.memref_slice %arg5[%arg0, %add3A_188, %dma_start3A_192] : memref<2x10240x128xf32, #tpu.memory_space<hbm>> -> memref<1x80x128xf32, #tpu.memory_space<hbm>>
        %dma_start3A_194 = tpu.memref_squeeze %dma_start3A_193 : memref<1x80x128xf32, #tpu.memory_space<hbm>> -> memref<80x128xf32, #tpu.memory_space<hbm>>
        %dma_start3A_195 = arith.constant 0 : i32
        %dma_start3A_196 = tpu.memref_slice %arg5[%arg0, %add3A_188, %dma_start3A_195] : memref<2x10240x128xf32, #tpu.memory_space<hbm>> -> memref<1x80x128xf32, #tpu.memory_space<hbm>>
        %dma_start3A_197 = tpu.memref_squeeze %dma_start3A_196 : memref<1x80x128xf32, #tpu.memory_space<hbm>> -> memref<80x128xf32, #tpu.memory_space<hbm>>
        %dma_start3A_198 = arith.constant 0 : i32
        %dma_start3A_199 = arith.constant 0 : i32
        %dma_start3A_200 = tpu.memref_slice %arg10[%dma_start3A_198, %dma_start3A_199] : memref<125x128xf32, #tpu.memory_space<vmem>> -> memref<80x128xf32, #tpu.memory_space<vmem>>
        tpu.enqueue_dma source(%dma_start3A_200 : memref<80x128xf32, #tpu.memory_space<vmem>>) target(%dma_start3A_197 : memref<80x128xf32, #tpu.memory_space<hbm>>) target_semaphore(%run_scoped3A : memref<!tpu.dma_semaphore, #tpu.memory_space<semaphore_mem>>)
        %dma_wait3A_201 = arith.constant 0 : i32
        %dma_wait3A_202 = arith.constant 0 : i32
        %dma_wait3A_203 = tpu.memref_slice %arg10[%dma_wait3A_201, %dma_wait3A_202] : memref<125x128xf32, #tpu.memory_space<vmem>> -> memref<80x128xf32, #tpu.memory_space<vmem>>
        %dma_wait3A_204 = arith.constant 0 : i32
        %dma_wait3A_205 = tpu.memref_slice %arg5[%arg0, %add3A_188, %dma_wait3A_204] : memref<2x10240x128xf32, #tpu.memory_space<hbm>> -> memref<1x80x128xf32, #tpu.memory_space<hbm>>
        %dma_wait3A_206 = tpu.memref_squeeze %dma_wait3A_205 : memref<1x80x128xf32, #tpu.memory_space<hbm>> -> memref<80x128xf32, #tpu.memory_space<hbm>>
        %dma_wait3A_207 = arith.constant 0 : i32
        %dma_wait3A_208 = tpu.memref_slice %arg5[%arg0, %add3A_188, %dma_wait3A_207] : memref<2x10240x128xf32, #tpu.memory_space<hbm>> -> memref<1x80x128xf32, #tpu.memory_space<hbm>>
        %dma_wait3A_209 = tpu.memref_squeeze %dma_wait3A_208 : memref<1x80x128xf32, #tpu.memory_space<hbm>> -> memref<80x128xf32, #tpu.memory_space<hbm>>
        %dma_wait3A_210 = arith.constant 0 : i32
        %dma_wait3A_211 = arith.constant 0 : i32
        %dma_wait3A_212 = tpu.memref_slice %arg10[%dma_wait3A_210, %dma_wait3A_211] : memref<125x128xf32, #tpu.memory_space<vmem>> -> memref<80x128xf32, #tpu.memory_space<vmem>>
        tpu.wait_dma2 semaphore(%run_scoped3A : memref<!tpu.dma_semaphore, #tpu.memory_space<semaphore_mem>>) src(%dma_wait3A_212 : memref<80x128xf32, #tpu.memory_space<vmem>>) dst(%dma_wait3A_209 : memref<80x128xf32, #tpu.memory_space<hbm>>)
        tpu.yield
      }) : () -> ()
    }
    %scan3A_130 = arith.constant 4 : i32
    return
  }
}

#map = affine_map<(d0, d1) -> (0, 0, 0)>
#map1 = affine_map<(d0, d1) -> (0)>
module attributes {stable_mosaic.version = 14 : i64} {
  func.func @_degree_kernel(%arg0: i32, %arg1: i32, %arg2: memref<2x2560x125xi32, #tpu.memory_space<hbm>>, %arg3: memref<640xf32, #tpu.memory_space<hbm>>, %arg4: memref<125xf32, #tpu.memory_space<hbm>>, %arg5: memref<10240xf32, #tpu.memory_space<hbm>>, %arg6: memref<10240xf32, #tpu.memory_space<hbm>>, %arg7: memref<10240xf32, #tpu.memory_space<vmem_shared>>, %arg8: memref<160x125xi32, #tpu.memory_space<vmem>>, %arg9: memref<125xf32, #tpu.memory_space<vmem>>, %arg10: memref<640xf32, #tpu.memory_space<vmem>>, %arg11: memref<!tpu.dma_semaphore, #tpu.memory_space<semaphore_mem>>) attributes {dimension_semantics = [#tpu.dimension_semantics<core_parallel>, #tpu.dimension_semantics<subcore_parallel>], iteration_bounds = array<i64: 2, 16>, scalar_prefetch = 0 : i64, scratch_operands = 5 : i64, tpu.core_type = #tpu.core_type<sc_vector_subcore>, window_params = [{transform_indices = #map}, {transform_indices = #map1}, {transform_indices = #map1}, {transform_indices = #map1}, {transform_indices = #map1}]} {
    %mul3A = arith.constant 160 : i32
    %mul3A_0 = arith.muli %arg1, %mul3A : i32
    %dma_start3A = arith.constant 0 : i32
    %dma_start3A_1 = tpu.memref_slice %arg2[%arg0, %mul3A_0, %dma_start3A] : memref<2x2560x125xi32, #tpu.memory_space<hbm>> -> memref<1x160x125xi32, #tpu.memory_space<hbm>>
    %dma_start3A_2 = tpu.memref_squeeze %dma_start3A_1 : memref<1x160x125xi32, #tpu.memory_space<hbm>> -> memref<160x125xi32, #tpu.memory_space<hbm>>
    %dma_start3A_3 = arith.constant 0 : i32
    %dma_start3A_4 = tpu.memref_slice %arg2[%arg0, %mul3A_0, %dma_start3A_3] : memref<2x2560x125xi32, #tpu.memory_space<hbm>> -> memref<1x160x125xi32, #tpu.memory_space<hbm>>
    %dma_start3A_5 = tpu.memref_squeeze %dma_start3A_4 : memref<1x160x125xi32, #tpu.memory_space<hbm>> -> memref<160x125xi32, #tpu.memory_space<hbm>>
    tpu.enqueue_dma source(%dma_start3A_5 : memref<160x125xi32, #tpu.memory_space<hbm>>) target(%arg8 : memref<160x125xi32, #tpu.memory_space<vmem>>) target_semaphore(%arg11 : memref<!tpu.dma_semaphore, #tpu.memory_space<semaphore_mem>>)
    "tpu.region"() ({
      %run_scoped3A = tpu.sem_alloc : memref<!tpu.dma_semaphore, #tpu.memory_space<semaphore_mem>>
      tpu.enqueue_dma source(%arg3 : memref<640xf32, #tpu.memory_space<hbm>>) target(%arg10 : memref<640xf32, #tpu.memory_space<vmem>>) target_semaphore(%run_scoped3A : memref<!tpu.dma_semaphore, #tpu.memory_space<semaphore_mem>>)
      tpu.wait_dma2 semaphore(%run_scoped3A : memref<!tpu.dma_semaphore, #tpu.memory_space<semaphore_mem>>) src(%arg3 : memref<640xf32, #tpu.memory_space<hbm>>) dst(%arg10 : memref<640xf32, #tpu.memory_space<vmem>>)
      tpu.yield
    }) : () -> ()
    %mul3A_6 = arith.constant 640 : i32
    %mul3A_7 = arith.muli %arg1, %mul3A_6 : i32
    "tpu.region"() ({
      %run_scoped3A = tpu.sem_alloc : memref<!tpu.dma_semaphore, #tpu.memory_space<semaphore_mem>>
      %dma_start3A_36 = tpu.memref_slice %arg7[%mul3A_7] : memref<10240xf32, #tpu.memory_space<vmem_shared>> -> memref<640xf32, #tpu.memory_space<vmem_shared>>
      %dma_start3A_37 = tpu.memref_slice %arg7[%mul3A_7] : memref<10240xf32, #tpu.memory_space<vmem_shared>> -> memref<640xf32, #tpu.memory_space<vmem_shared>>
      tpu.enqueue_dma source(%arg10 : memref<640xf32, #tpu.memory_space<vmem>>) target(%dma_start3A_37 : memref<640xf32, #tpu.memory_space<vmem_shared>>) target_semaphore(%run_scoped3A : memref<!tpu.dma_semaphore, #tpu.memory_space<semaphore_mem>>)
      %dma_wait3A_38 = tpu.memref_slice %arg7[%mul3A_7] : memref<10240xf32, #tpu.memory_space<vmem_shared>> -> memref<640xf32, #tpu.memory_space<vmem_shared>>
      %dma_wait3A_39 = tpu.memref_slice %arg7[%mul3A_7] : memref<10240xf32, #tpu.memory_space<vmem_shared>> -> memref<640xf32, #tpu.memory_space<vmem_shared>>
      tpu.wait_dma2 semaphore(%run_scoped3A : memref<!tpu.dma_semaphore, #tpu.memory_space<semaphore_mem>>) src(%arg10 : memref<640xf32, #tpu.memory_space<vmem>>) dst(%dma_wait3A_39 : memref<640xf32, #tpu.memory_space<vmem_shared>>)
      tpu.yield
    }) : () -> ()
    "tpu.region"() ({
      %run_scoped3A = tpu.sem_alloc : memref<!tpu.dma_semaphore, #tpu.memory_space<semaphore_mem>>
      tpu.enqueue_dma source(%arg4 : memref<125xf32, #tpu.memory_space<hbm>>) target(%arg9 : memref<125xf32, #tpu.memory_space<vmem>>) target_semaphore(%run_scoped3A : memref<!tpu.dma_semaphore, #tpu.memory_space<semaphore_mem>>)
      tpu.wait_dma2 semaphore(%run_scoped3A : memref<!tpu.dma_semaphore, #tpu.memory_space<semaphore_mem>>) src(%arg4 : memref<125xf32, #tpu.memory_space<hbm>>) dst(%arg9 : memref<125xf32, #tpu.memory_space<vmem>>)
      tpu.yield
    }) : () -> ()
    %mul3A_8 = arith.constant 160 : i32
    %mul3A_9 = arith.muli %arg1, %mul3A_8 : i32
    %dma_wait3A = arith.constant 0 : i32
    %dma_wait3A_10 = tpu.memref_slice %arg2[%arg0, %mul3A_9, %dma_wait3A] : memref<2x2560x125xi32, #tpu.memory_space<hbm>> -> memref<1x160x125xi32, #tpu.memory_space<hbm>>
    %dma_wait3A_11 = tpu.memref_squeeze %dma_wait3A_10 : memref<1x160x125xi32, #tpu.memory_space<hbm>> -> memref<160x125xi32, #tpu.memory_space<hbm>>
    %dma_wait3A_12 = arith.constant 0 : i32
    %dma_wait3A_13 = tpu.memref_slice %arg2[%arg0, %mul3A_9, %dma_wait3A_12] : memref<2x2560x125xi32, #tpu.memory_space<hbm>> -> memref<1x160x125xi32, #tpu.memory_space<hbm>>
    %dma_wait3A_14 = tpu.memref_squeeze %dma_wait3A_13 : memref<1x160x125xi32, #tpu.memory_space<hbm>> -> memref<160x125xi32, #tpu.memory_space<hbm>>
    tpu.wait_dma2 semaphore(%arg11 : memref<!tpu.dma_semaphore, #tpu.memory_space<semaphore_mem>>) src(%dma_wait3A_14 : memref<160x125xi32, #tpu.memory_space<hbm>>) dst(%arg8 : memref<160x125xi32, #tpu.memory_space<vmem>>)
    %barrier3A = arith.constant 0 : index
    tpu.barrier barrier_id(%barrier3A)
    %scan3A = arith.constant 0 : i32
    %scan3A_15 = arith.constant 0 : i32
    %scan3A_16 = arith.constant 160 : i32
    %scan3A_17 = arith.addi %scan3A_15, %scan3A_16 : i32
    %scan3A_18 = arith.constant 1 : i32
    scf.for %scan3A_36 = %scan3A_15 to %scan3A_17 step %scan3A_18  : i32 {
      %ge3A = arith.constant 16 : i32
      %ge3A_37 = arith.cmpi sge, %scan3A_36, %ge3A : i32
      %convert_element_type3A_38 = arith.extui %ge3A_37 : i1 to i32
      %cond3A_39 = arith.constant 0 : i32
      %cond3A_40 = arith.cmpi ne, %convert_element_type3A_38, %cond3A_39 : i32
      scf.if %cond3A_40 {
        %dma_wait3A_46 = arith.constant 0 : i32
        %dma_wait3A_47 = arith.constant 0 : i32
        %dma_wait3A_48 = tpu.memref_slice %arg8[%dma_wait3A_46, %dma_wait3A_47] : memref<160x125xi32, #tpu.memory_space<vmem>> -> memref<1x125xi32, #tpu.memory_space<vmem>>
        %dma_wait3A_49 = tpu.memref_squeeze %dma_wait3A_48 : memref<1x125xi32, #tpu.memory_space<vmem>> -> memref<125xi32, #tpu.memory_space<vmem>>
        %dma_wait3A_50 = arith.constant 0 : i32
        %dma_wait3A_51 = tpu.memref_slice %arg7[%dma_wait3A_50] : memref<10240xf32, #tpu.memory_space<vmem_shared>> -> memref<10240xf32, #tpu.memory_space<vmem_shared>>
        tpu.wait_indirect_dma semaphore(%arg11 : memref<!tpu.dma_semaphore, #tpu.memory_space<semaphore_mem>>) src(%arg9 : memref<125xf32, #tpu.memory_space<vmem>>) dst(%dma_wait3A_51 : memref<10240xf32, #tpu.memory_space<vmem_shared>>)
      } else {
      }
      %dma_start3A_41 = arith.constant 0 : i32
      %dma_start3A_42 = tpu.memref_slice %arg8[%scan3A_36, %dma_start3A_41] : memref<160x125xi32, #tpu.memory_space<vmem>> -> memref<1x125xi32, #tpu.memory_space<vmem>>
      %dma_start3A_43 = tpu.memref_squeeze %dma_start3A_42 : memref<1x125xi32, #tpu.memory_space<vmem>> -> memref<125xi32, #tpu.memory_space<vmem>>
      %dma_start3A_44 = arith.constant 0 : i32
      %dma_start3A_45 = tpu.memref_slice %arg7[%dma_start3A_44] : memref<10240xf32, #tpu.memory_space<vmem_shared>> -> memref<10240xf32, #tpu.memory_space<vmem_shared>>
      tpu.enqueue_indirect_dma source(%arg9 : memref<125xf32, #tpu.memory_space<vmem>>) target(%dma_start3A_45 : memref<10240xf32, #tpu.memory_space<vmem_shared>>) offsets(%dma_start3A_43 : memref<125xi32, #tpu.memory_space<vmem>>) semaphore(%arg11 : memref<!tpu.dma_semaphore, #tpu.memory_space<semaphore_mem>>) {add = true}
    }
    %scan3A_19 = arith.constant 160 : i32
    %scan3A_20 = arith.constant 0 : i32
    %scan3A_21 = arith.constant 0 : i32
    %scan3A_22 = arith.constant 16 : i32
    %scan3A_23 = arith.addi %scan3A_21, %scan3A_22 : i32
    %scan3A_24 = arith.constant 1 : i32
    scf.for %scan3A_36 = %scan3A_21 to %scan3A_23 step %scan3A_24  : i32 {
      %dma_wait3A_37 = arith.constant 0 : i32
      %dma_wait3A_38 = arith.constant 0 : i32
      %dma_wait3A_39 = tpu.memref_slice %arg8[%dma_wait3A_37, %dma_wait3A_38] : memref<160x125xi32, #tpu.memory_space<vmem>> -> memref<1x125xi32, #tpu.memory_space<vmem>>
      %dma_wait3A_40 = tpu.memref_squeeze %dma_wait3A_39 : memref<1x125xi32, #tpu.memory_space<vmem>> -> memref<125xi32, #tpu.memory_space<vmem>>
      %dma_wait3A_41 = arith.constant 0 : i32
      %dma_wait3A_42 = tpu.memref_slice %arg7[%dma_wait3A_41] : memref<10240xf32, #tpu.memory_space<vmem_shared>> -> memref<10240xf32, #tpu.memory_space<vmem_shared>>
      tpu.wait_indirect_dma semaphore(%arg11 : memref<!tpu.dma_semaphore, #tpu.memory_space<semaphore_mem>>) src(%arg9 : memref<125xf32, #tpu.memory_space<vmem>>) dst(%dma_wait3A_42 : memref<10240xf32, #tpu.memory_space<vmem_shared>>)
    }
    %scan3A_25 = arith.constant 16 : i32
    %barrier3A_26 = arith.constant 0 : index
    tpu.barrier barrier_id(%barrier3A_26)
    %mul3A_27 = arith.constant 640 : i32
    %mul3A_28 = arith.muli %arg1, %mul3A_27 : i32
    "tpu.region"() ({
      %run_scoped3A = tpu.sem_alloc : memref<!tpu.dma_semaphore, #tpu.memory_space<semaphore_mem>>
      %dma_start3A_36 = tpu.memref_slice %arg7[%mul3A_28] : memref<10240xf32, #tpu.memory_space<vmem_shared>> -> memref<640xf32, #tpu.memory_space<vmem_shared>>
      %dma_start3A_37 = tpu.memref_slice %arg7[%mul3A_28] : memref<10240xf32, #tpu.memory_space<vmem_shared>> -> memref<640xf32, #tpu.memory_space<vmem_shared>>
      tpu.enqueue_dma source(%dma_start3A_37 : memref<640xf32, #tpu.memory_space<vmem_shared>>) target(%arg10 : memref<640xf32, #tpu.memory_space<vmem>>) target_semaphore(%run_scoped3A : memref<!tpu.dma_semaphore, #tpu.memory_space<semaphore_mem>>)
      %dma_wait3A_38 = tpu.memref_slice %arg7[%mul3A_28] : memref<10240xf32, #tpu.memory_space<vmem_shared>> -> memref<640xf32, #tpu.memory_space<vmem_shared>>
      %dma_wait3A_39 = tpu.memref_slice %arg7[%mul3A_28] : memref<10240xf32, #tpu.memory_space<vmem_shared>> -> memref<640xf32, #tpu.memory_space<vmem_shared>>
      tpu.wait_dma2 semaphore(%run_scoped3A : memref<!tpu.dma_semaphore, #tpu.memory_space<semaphore_mem>>) src(%dma_wait3A_39 : memref<640xf32, #tpu.memory_space<vmem_shared>>) dst(%arg10 : memref<640xf32, #tpu.memory_space<vmem>>)
      tpu.yield
    }) : () -> ()
    %eq3A = arith.constant 0 : i32
    %eq3A_29 = arith.cmpi eq, %arg0, %eq3A : i32
    %convert_element_type3A = arith.extui %eq3A_29 : i1 to i32
    %cond3A = arith.constant 0 : i32
    %cond3A_30 = arith.cmpi ne, %convert_element_type3A, %cond3A : i32
    scf.if %cond3A_30 {
      %mul3A_36 = arith.constant 640 : i32
      %mul3A_37 = arith.muli %arg1, %mul3A_36 : i32
      "tpu.region"() ({
        %run_scoped3A = tpu.sem_alloc : memref<!tpu.dma_semaphore, #tpu.memory_space<semaphore_mem>>
        %dma_start3A_38 = tpu.memref_slice %arg5[%mul3A_37] : memref<10240xf32, #tpu.memory_space<hbm>> -> memref<640xf32, #tpu.memory_space<hbm>>
        %dma_start3A_39 = tpu.memref_slice %arg5[%mul3A_37] : memref<10240xf32, #tpu.memory_space<hbm>> -> memref<640xf32, #tpu.memory_space<hbm>>
        tpu.enqueue_dma source(%arg10 : memref<640xf32, #tpu.memory_space<vmem>>) target(%dma_start3A_39 : memref<640xf32, #tpu.memory_space<hbm>>) target_semaphore(%run_scoped3A : memref<!tpu.dma_semaphore, #tpu.memory_space<semaphore_mem>>)
        %dma_wait3A_40 = tpu.memref_slice %arg5[%mul3A_37] : memref<10240xf32, #tpu.memory_space<hbm>> -> memref<640xf32, #tpu.memory_space<hbm>>
        %dma_wait3A_41 = tpu.memref_slice %arg5[%mul3A_37] : memref<10240xf32, #tpu.memory_space<hbm>> -> memref<640xf32, #tpu.memory_space<hbm>>
        tpu.wait_dma2 semaphore(%run_scoped3A : memref<!tpu.dma_semaphore, #tpu.memory_space<semaphore_mem>>) src(%arg10 : memref<640xf32, #tpu.memory_space<vmem>>) dst(%dma_wait3A_41 : memref<640xf32, #tpu.memory_space<hbm>>)
        tpu.yield
      }) : () -> ()
    } else {
    }
    %eq3A_31 = arith.constant 1 : i32
    %eq3A_32 = arith.cmpi eq, %arg0, %eq3A_31 : i32
    %convert_element_type3A_33 = arith.extui %eq3A_32 : i1 to i32
    %cond3A_34 = arith.constant 0 : i32
    %cond3A_35 = arith.cmpi ne, %convert_element_type3A_33, %cond3A_34 : i32
    scf.if %cond3A_35 {
      %mul3A_36 = arith.constant 640 : i32
      %mul3A_37 = arith.muli %arg1, %mul3A_36 : i32
      "tpu.region"() ({
        %run_scoped3A = tpu.sem_alloc : memref<!tpu.dma_semaphore, #tpu.memory_space<semaphore_mem>>
        %dma_start3A_38 = tpu.memref_slice %arg6[%mul3A_37] : memref<10240xf32, #tpu.memory_space<hbm>> -> memref<640xf32, #tpu.memory_space<hbm>>
        %dma_start3A_39 = tpu.memref_slice %arg6[%mul3A_37] : memref<10240xf32, #tpu.memory_space<hbm>> -> memref<640xf32, #tpu.memory_space<hbm>>
        tpu.enqueue_dma source(%arg10 : memref<640xf32, #tpu.memory_space<vmem>>) target(%dma_start3A_39 : memref<640xf32, #tpu.memory_space<hbm>>) target_semaphore(%run_scoped3A : memref<!tpu.dma_semaphore, #tpu.memory_space<semaphore_mem>>)
        %dma_wait3A_40 = tpu.memref_slice %arg6[%mul3A_37] : memref<10240xf32, #tpu.memory_space<hbm>> -> memref<640xf32, #tpu.memory_space<hbm>>
        %dma_wait3A_41 = tpu.memref_slice %arg6[%mul3A_37] : memref<10240xf32, #tpu.memory_space<hbm>> -> memref<640xf32, #tpu.memory_space<hbm>>
        tpu.wait_dma2 semaphore(%run_scoped3A : memref<!tpu.dma_semaphore, #tpu.memory_space<semaphore_mem>>) src(%arg10 : memref<640xf32, #tpu.memory_space<vmem>>) dst(%dma_wait3A_41 : memref<640xf32, #tpu.memory_space<hbm>>)
        tpu.yield
      }) : () -> ()
    } else {
    }
    return
  }
}

module attributes {stable_mosaic.version = 14 : i64} {
  func.func @_h_body(%arg0: i32, %arg1: memref<2000x128xf32, #tpu.memory_space<vmem>>, %arg2: memref<2000x1xf32, #tpu.memory_space<vmem>>, %arg3: memref<128x128xf32, #tpu.memory_space<vmem>>, %arg4: memref<1x128xf32, #tpu.memory_space<vmem>>, %arg5: memref<2000x128xf32, #tpu.memory_space<vmem>>, %arg6: memref<2000x128xf32, #tpu.memory_space<vmem>>) attributes {dimension_semantics = [#tpu.dimension_semantics<arbitrary>], iteration_bounds = array<i64: 5>, scalar_prefetch = 0 : i64, scratch_operands = 0 : i64, tpu.core_type = #tpu.core_type<tc>, window_params = [{transform_indices = @transform_0, window_bounds = array<i64: 2000, 128>}, {transform_indices = @transform_1, window_bounds = array<i64: 2000, 1>}, {pipeline_mode = #tpu.pipeline_mode<synchronous>, transform_indices = @transform_2, window_bounds = array<i64: 128, 128>}, {pipeline_mode = #tpu.pipeline_mode<synchronous>, transform_indices = @transform_3, window_bounds = array<i64: 1, 128>}, {transform_indices = @transform_4, window_bounds = array<i64: 2000, 128>}, {transform_indices = @transform_5, window_bounds = array<i64: 2000, 128>}]} {
    %get3A = arith.constant 0 : index
    %get3A_0 = arith.constant 0 : index
    %get3A_1 = vector.load %arg2[%get3A, %get3A_0] : memref<2000x1xf32, #tpu.memory_space<vmem>>, vector<2000x1xf32>
    %max3A = arith.constant 1.000000e+00 : f32
    %max3A_2 = vector.broadcast %max3A : f32 to vector<2000x1xf32>
    %max3A_3 = arith.maximumf %get3A_1, %max3A_2 : vector<2000x1xf32>
    %rsqrt3A = math.rsqrt %max3A_3 : vector<2000x1xf32>
    %get3A_4 = arith.constant 0 : index
    %get3A_5 = arith.constant 0 : index
    %get3A_6 = vector.load %arg1[%get3A_4, %get3A_5] : memref<2000x128xf32, #tpu.memory_space<vmem>>, vector<2000x128xf32>
    %mul3A = vector.broadcast %rsqrt3A : vector<2000x1xf32> to vector<2000x128xf32>
    %mul3A_7 = arith.mulf %get3A_6, %mul3A : vector<2000x128xf32>
    %swap3A = arith.constant 0 : index
    %swap3A_8 = arith.constant 0 : index
    %swap3A_9 = vector.load %arg5[%swap3A, %swap3A_8] : memref<2000x128xf32, #tpu.memory_space<vmem>>, vector<2000x128xf32>
    tpu.vector_store %arg5[%swap3A, %swap3A_8], %mul3A_7 {strides = array<i32>} : memref<2000x128xf32, #tpu.memory_space<vmem>>, vector<2000x128xf32>,
    %get3A_10 = arith.constant 0 : index
    %get3A_11 = arith.constant 0 : index
    %get3A_12 = vector.load %arg1[%get3A_10, %get3A_11] : memref<2000x128xf32, #tpu.memory_space<vmem>>, vector<2000x128xf32>
    %get3A_13 = arith.constant 0 : index
    %get3A_14 = arith.constant 0 : index
    %get3A_15 = vector.load %arg3[%get3A_13, %get3A_14] : memref<128x128xf32, #tpu.memory_space<vmem>>, vector<128x128xf32>
    %dot_general3A = arith.constant dense<0.000000e+00> : vector<2000x128xf32>
    %dot_general3A_16 = tpu.matmul %get3A_12, %get3A_15, %dot_general3A {dimension_numbers = #tpu.dot_dimension_numbers<[1], [0], [0], [1], [0, 0, 1, 1], [], []>, transpose_lhs_hint = false} : vector<2000x128xf32>, vector<128x128xf32>, vector<2000x128xf32> -> vector<2000x128xf32>
    %get3A_17 = arith.constant 0 : index
    %get3A_18 = arith.constant 0 : index
    %get3A_19 = vector.load %arg4[%get3A_17, %get3A_18] : memref<1x128xf32, #tpu.memory_space<vmem>>, vector<1x128xf32>
    %add3A = vector.broadcast %get3A_19 : vector<1x128xf32> to vector<2000x128xf32>
    %add3A_20 = arith.addf %dot_general3A_16, %add3A : vector<2000x128xf32>
    %swap3A_21 = arith.constant 0 : index
    %swap3A_22 = arith.constant 0 : index
    %swap3A_23 = vector.load %arg6[%swap3A_21, %swap3A_22] : memref<2000x128xf32, #tpu.memory_space<vmem>>, vector<2000x128xf32>
    tpu.vector_store %arg6[%swap3A_21, %swap3A_22], %add3A_20 {strides = array<i32>} : memref<2000x128xf32, #tpu.memory_space<vmem>>, vector<2000x128xf32>,
    return
  }
  func.func @transform_0(%arg0: i32) -> (i32, i32) {
    %c0_i32 = arith.constant 0 : i32
    %c0_i32_0 = arith.constant 0 : i32
    return %arg0, %c0_i32 : i32, i32
  }
  func.func @transform_1(%arg0: i32) -> (i32, i32) {
    %c0_i32 = arith.constant 0 : i32
    %c0_i32_0 = arith.constant 0 : i32
    return %arg0, %c0_i32 : i32, i32
  }
  func.func @transform_2(%arg0: i32) -> (i32, i32) {
    %c0_i32 = arith.constant 0 : i32
    %c0_i32_0 = arith.constant 0 : i32
    %c0_i32_1 = arith.constant 0 : i32
    return %c0_i32, %c0_i32_0 : i32, i32
  }
  func.func @transform_3(%arg0: i32) -> (i32, i32) {
    %c0_i32 = arith.constant 0 : i32
    %c0_i32_0 = arith.constant 0 : i32
    %c0_i32_1 = arith.constant 0 : i32
    return %c0_i32, %c0_i32_0 : i32, i32
  }
  func.func @transform_4(%arg0: i32) -> (i32, i32) {
    %c0_i32 = arith.constant 0 : i32
    %c0_i32_0 = arith.constant 0 : i32
    return %arg0, %c0_i32 : i32, i32
  }
  func.func @transform_5(%arg0: i32) -> (i32, i32) {
    %c0_i32 = arith.constant 0 : i32
    %c0_i32_0 = arith.constant 0 : i32
    return %arg0, %c0_i32 : i32, i32
  }
}

module attributes {stable_mosaic.version = 14 : i64} {
  func.func @_out_body(%arg0: i32, %arg1: memref<2x2000x128xf32, #tpu.memory_space<vmem>>, %arg2: memref<2000x1xf32, #tpu.memory_space<vmem>>, %arg3: memref<2000x128xf32, #tpu.memory_space<vmem>>, %arg4: memref<128x128xf32, #tpu.memory_space<vmem>>, %arg5: memref<2000x128xf32, #tpu.memory_space<vmem>>) attributes {dimension_semantics = [#tpu.dimension_semantics<arbitrary>], iteration_bounds = array<i64: 5>, scalar_prefetch = 0 : i64, scratch_operands = 0 : i64, tpu.core_type = #tpu.core_type<tc>, window_params = [{transform_indices = @transform_0, window_bounds = array<i64: 2, 2000, 128>}, {transform_indices = @transform_1, window_bounds = array<i64: 2000, 1>}, {transform_indices = @transform_2, window_bounds = array<i64: 2000, 128>}, {pipeline_mode = #tpu.pipeline_mode<synchronous>, transform_indices = @transform_3, window_bounds = array<i64: 128, 128>}, {transform_indices = @transform_4, window_bounds = array<i64: 2000, 128>}]} {
    %get3A = arith.constant 0 : index
    %get3A_0 = arith.constant 0 : index
    %get3A_1 = arith.constant 0 : index
    %get3A_2 = vector.load %arg1[%get3A, %get3A_0, %get3A_1] : memref<2x2000x128xf32, #tpu.memory_space<vmem>>, vector<1x2000x128xf32>
    %get3A_3 = vector.shape_cast %get3A_2 : vector<1x2000x128xf32> to vector<2000x128xf32>
    %get3A_4 = arith.constant 1 : index
    %get3A_5 = arith.constant 0 : index
    %get3A_6 = arith.constant 0 : index
    %get3A_7 = vector.load %arg1[%get3A_4, %get3A_5, %get3A_6] : memref<2x2000x128xf32, #tpu.memory_space<vmem>>, vector<1x2000x128xf32>
    %get3A_8 = vector.shape_cast %get3A_7 : vector<1x2000x128xf32> to vector<2000x128xf32>
    %add3A = arith.addf %get3A_3, %get3A_8 : vector<2000x128xf32>
    %get3A_9 = arith.constant 0 : index
    %get3A_10 = arith.constant 0 : index
    %get3A_11 = vector.load %arg2[%get3A_9, %get3A_10] : memref<2000x1xf32, #tpu.memory_space<vmem>>, vector<2000x1xf32>
    %max3A = arith.constant 1.000000e+00 : f32
    %max3A_12 = vector.broadcast %max3A : f32 to vector<2000x1xf32>
    %max3A_13 = arith.maximumf %get3A_11, %max3A_12 : vector<2000x1xf32>
    %rsqrt3A = math.rsqrt %max3A_13 : vector<2000x1xf32>
    %mul3A = vector.broadcast %rsqrt3A : vector<2000x1xf32> to vector<2000x128xf32>
    %mul3A_14 = arith.mulf %add3A, %mul3A : vector<2000x128xf32>
    %get3A_15 = arith.constant 0 : index
    %get3A_16 = arith.constant 0 : index
    %get3A_17 = vector.load %arg4[%get3A_15, %get3A_16] : memref<128x128xf32, #tpu.memory_space<vmem>>, vector<128x128xf32>
    %dot_general3A = arith.constant dense<0.000000e+00> : vector<2000x128xf32>
    %dot_general3A_18 = tpu.matmul %mul3A_14, %get3A_17, %dot_general3A {dimension_numbers = #tpu.dot_dimension_numbers<[1], [0], [0], [1], [0, 0, 1, 1], [], []>, transpose_lhs_hint = false} : vector<2000x128xf32>, vector<128x128xf32>, vector<2000x128xf32> -> vector<2000x128xf32>
    %get3A_19 = arith.constant 0 : index
    %get3A_20 = arith.constant 0 : index
    %get3A_21 = vector.load %arg3[%get3A_19, %get3A_20] : memref<2000x128xf32, #tpu.memory_space<vmem>>, vector<2000x128xf32>
    %add3A_22 = arith.addf %dot_general3A_18, %get3A_21 : vector<2000x128xf32>
    %swap3A = arith.constant 0 : index
    %swap3A_23 = arith.constant 0 : index
    %swap3A_24 = vector.load %arg5[%swap3A, %swap3A_23] : memref<2000x128xf32, #tpu.memory_space<vmem>>, vector<2000x128xf32>
    tpu.vector_store %arg5[%swap3A, %swap3A_23], %add3A_22 {strides = array<i32>} : memref<2000x128xf32, #tpu.memory_space<vmem>>, vector<2000x128xf32>,
    return
  }
  func.func @transform_0(%arg0: i32) -> (i32, i32, i32) {
    %c0_i32 = arith.constant 0 : i32
    %c0_i32_0 = arith.constant 0 : i32
    %c0_i32_1 = arith.constant 0 : i32
    return %c0_i32, %arg0, %c0_i32_0 : i32, i32, i32
  }
  func.func @transform_1(%arg0: i32) -> (i32, i32) {
    %c0_i32 = arith.constant 0 : i32
    %c0_i32_0 = arith.constant 0 : i32
    return %arg0, %c0_i32 : i32, i32
  }
  func.func @transform_2(%arg0: i32) -> (i32, i32) {
    %c0_i32 = arith.constant 0 : i32
    %c0_i32_0 = arith.constant 0 : i32
    return %arg0, %c0_i32 : i32, i32
  }
  func.func @transform_3(%arg0: i32) -> (i32, i32) {
    %c0_i32 = arith.constant 0 : i32
    %c0_i32_0 = arith.constant 0 : i32
    %c0_i32_1 = arith.constant 0 : i32
    return %c0_i32, %c0_i32_0 : i32, i32
  }
  func.func @transform_4(%arg0: i32) -> (i32, i32) {
    %c0_i32 = arith.constant 0 : i32
    %c0_i32_0 = arith.constant 0 : i32
    return %arg0, %c0_i32 : i32, i32
  }
}

</mosaic_0001>

<sc_bundles>
// kernel: kernel.6.cloned.1.call-start
scs
__scs_entry_jumppad:
0x0: {  	(pc) =	sbr.rel $0x88, $3  }
0x1: {  	(tag) =	ssettag $0x0;
	lr =	simm.s32 $0x1  }
0x2: {  	[smem:$0x3F9B] =	sst lr;
	_ =	strace $0xD0000000  }
0x3: {  	_ = 	snop  }
0x4: {  	_ = 	snop  }
0x5: {  	_ = 	snop  }
0x6: {  	_ = 	snop  }
0x7: {  	_ = 	snop  }
__scs_overlays_trampoline_lowered:
0x8: {  	[smem:$0x3FAA] =	sst s0  }
0x9: {  	[smem:$0x3FAB] =	sst s1  }
0xa: {  	[smem:$0x3FAC] =	sst s2  }
0xb: {  	[smem:$0x3FAD] =	sst s3  }
0xc: {  	[smem:$0x3FAE] =	sst s4  }
0xd: {  	[smem:$0x3FAF] =	sst s5  }
0xe: {  	[smem:$0x3FB0] =	sst s6  }
0xf: {  	[smem:$0x3FB1] =	sst s7  }
0x10: {  	[smem:$0x3FB2] =	sst s8  }
0x11: {  	[smem:$0x3FB3] =	sst s9;
	s0 =	simm.s32 @!p0 $0x0  }
0x12: {  	s1 =	sld [smem:$0x3F99];
	s0 =	simm.s32 @p0 $0x1  }
0x13: {  	[smem:$0x3FB4] =	sst s0;
	s0 =	simm.s32 @!p1 $0x0  }
0x14: {  	s2 =	sld [smem:$0x3F98];
	s0 =	simm.s32 @p1 $0x1  }
0x15: {  	[smem:$0x3FB5] =	sst s0;
	s0 =	simm.s32 @!p2 $0x0  }
0x16: {  	s3 =	sld [smem:$0x3FDB];
	s0 =	simm.s32 @p2 $0x1  }
0x17: {  	s4 =	simm.s32 $0x1BF5;
	[smem:$0x3FB7] =	sst s0  }
0x18: {  	s0 =	sld [smem:$0x3F9A];
	_ =	swait.ge [sflag:s4], $0x0  }
0x19: {  	s7 =	sld [smem:$0x3F9B]  }
0x1a: {  	s8 =	sadd.s32 $0xFFFFE003, lr  }
0x1b: {  	s9 =	sadd.s32 $0xFFFFFEF7, lr;
	s5 =	simm.s32 $0xFFFFFFFF;
	p2 =	slt.u32 s8, $0xFFFFF086  }
0x1c: {  	p1 =	slt.u32 s9, $0xF7A;
	s5 =	simm.s32 @!p2 $0x0  }
0x1d: {  	s5 =	simm.s32 @p1 $0x1;
	p0 =	seq.s32 s7, s2  }
0x1e: {  	s7 =	smul.u32 @!p0 $0xF7A, s2;
	p2 =	seq.s32 @!p0 s5, $0x0  }
0x1f: {  	s9 =	smul.u32 $0xF7A, s1;
	s8 =	simm.s32 @!p0 $0x1BF5;
	p2 =	por !p2, p0  }
0x20: {  	[sflag:s8] =	ssyncset.s32 @!p0 $0xFFFFF086;
	s6 =	sadd.s32 @!p0 s3, s7;
	s7 =	simm.s32 @!p0 $0x108  }
0x21: {  	s3 =	sadd.s32 s3, s9;
	s6 =	sadd.s32 @!p0 $0x88, s6;
	s7 =	simm.s32 @p2 $0x1082  }
0x22: {  	[simem:s7], [sflag:s8] =	dma.local @!p0 [hbm:s6], $0xF7A  }
0x23: {  	s9 =	sor.u32 $0xD0000000, s2;
	s6 =	simm.s32 $0x108;
	_ =	swait.ge @!p0 [sflag:s8], $0x0  }
0x24: {  	s3 =	sadd.s32 $0x88, s3;
	s6 =	simm.s32 @!p1 $0x1082;
	[sflag:s4] =	ssyncset.s32 $0xFFFFF086  }
0x25: {  	[simem:s6], [sflag:s4] =	dma.local [hbm:s3], $0xF7A  }
0x26: {  	[smem:$0x3F9B] =	sst s1;
	(tag) =	ssettag s2;
	_ =	strace s9  }
0x27: {  	s1 =	sld [smem:$0x3FAB]  }
0x28: {  	s2 =	sld [smem:$0x3FAC]  }
0x29: {  	s4 =	sld [smem:$0x3FAE]  }
0x2a: {  	p0 =	seq.s32 s5, $0x0;
	s5 =	sld [smem:$0x3FAF]  }
0x2b: {  	s6 =	sld [smem:$0x3FB0]  }
0x2c: {  	s7 =	sld [smem:$0x3FB1]  }
0x2d: {  	s3 =	simm.s32 $0x108;
	s8 =	sld [smem:$0x3FB2]  }
0x2e: {  	s3 =	simm.s32 @!p0 $0x1082;
	s9 =	sld [smem:$0x3FB3]  }
0x2f: {  	lr =	sadd.s32 s0, s3;
	s0 =	sld [smem:$0x3FAA]  }
0x30: {  	s3 =	sld [smem:$0x3FAD]  }
0x31: {  	[smem:$0x3FB6] =	sst s10  }
0x32: {  	s10 =	sld [smem:$0x3FB4];
	_ =	sdelay $0x3  }
0x33: {  	p0 =	seq.s32 s10, $0x1;
	s10 =	sld [smem:$0x3FB6];
	_ =	sdelay $0x3  }
0x34: {  	[smem:$0x3FB6] =	sst s10  }
0x35: {  	s10 =	sld [smem:$0x3FB5];
	_ =	sdelay $0x3  }
0x36: {  	p1 =	seq.s32 s10, $0x1;
	s10 =	sld [smem:$0x3FB6];
	_ =	sdelay $0x3  }
0x37: {  	[smem:$0x3FB6] =	sst s10  }
0x38: {  	s10 =	sld [smem:$0x3FB7]  }
0x39: {  	_ = 	snop;
	(pc) =	sbr.ind lr, $3  }
0x3a: {  	_ = 	snop  }
0x3b: {  	_ = 	snop  }
0x3c: {  	p2 =	seq.s32 s10, $0x1;
	s10 =	sld [smem:$0x3FB6]  }
0x3d: {  	_ =	shalt  }
0x3e: {  	_ =	shalt  }
0x3f: {  	_ =	shalt  }
0x40: {  	_ =	shalt  }
0x41: {  	_ =	shalt  }
0x42: {  	_ =	shalt  }
0x43: {  	_ =	shalt  }
0x44: {  	_ =	shalt  }
0x45: {  	_ =	shalt  }
0x46: {  	_ =	shalt  }
0x47: {  	_ =	shalt  }
0x48: {  	_ =	shalt  }
0x49: {  	_ =	shalt  }
0x4a: {  	_ =	shalt  }
0x4b: {  	_ =	shalt  }
0x4c: {  	_ =	shalt  }
0x4d: {  	_ =	shalt  }
0x4e: {  	_ =	shalt  }
0x4f: {  	_ =	shalt  }
0x50: {  	_ =	shalt  }
0x51: {  	_ =	shalt  }
0x52: {  	_ =	shalt  }
0x53: {  	_ =	shalt  }
0x54: {  	_ =	shalt  }
0x55: {  	_ =	shalt  }
0x56: {  	_ =	shalt  }
0x57: {  	_ =	shalt  }
0x58: {  	_ =	shalt  }
0x59: {  	_ =	shalt  }
0x5a: {  	_ =	shalt  }
0x5b: {  	_ =	shalt  }
0x5c: {  	_ =	shalt  }
0x5d: {  	_ =	shalt  }
0x5e: {  	_ =	shalt  }
0x5f: {  	_ =	shalt  }
0x60: {  	_ =	shalt  }
0x61: {  	_ =	shalt  }
0x62: {  	_ =	shalt  }
0x63: {  	_ =	shalt  }
0x64: {  	_ =	shalt  }
0x65: {  	_ =	shalt  }
0x66: {  	_ =	shalt  }
0x67: {  	_ =	shalt  }
0x68: {  	_ =	shalt  }
0x69: {  	_ =	shalt  }
0x6a: {  	_ =	shalt  }
0x6b: {  	_ =	shalt  }
0x6c: {  	_ =	shalt  }
0x6d: {  	_ =	shalt  }
0x6e: {  	_ =	shalt  }
0x6f: {  	_ =	shalt  }
0x70: {  	_ =	shalt  }
0x71: {  	_ =	shalt  }
0x72: {  	_ =	shalt  }
0x73: {  	_ =	shalt  }
0x74: {  	_ =	shalt  }
0x75: {  	_ =	shalt  }
0x76: {  	_ =	shalt  }
0x77: {  	_ =	shalt  }
0x78: {  	_ =	shalt  }
0x79: {  	_ =	shalt  }
0x7a: {  	_ =	shalt  }
0x7b: {  	_ =	shalt  }
0x7c: {  	_ =	shalt  }
0x7d: {  	_ =	shalt  }
0x7e: {  	_ =	shalt  }
0x7f: {  	_ =	shalt  }
0x80: {  	_ =	shalt  }
0x81: {  	_ =	shalt  }
0x82: {  	_ =	shalt  }
0x83: {  	_ =	shalt  }
0x84: {  	_ =	shalt  }
0x85: {  	_ =	shalt  }
0x86: {  	_ =	shalt  }
0x87: {  	_ =	shalt  }
.Lfunc_end0:
.L_simem_size_0:
called_computation_lowered:
.L_overlay_start_0:
0x88: {  	s2 =	sld [smem:$0x3FD9]  }
0x89: {  	s3 =	sld [smem:$0x3FFE];
	_ =	sdelay $0x1  }
0x8a: {  	s1 =	srdreg.scid  }
0x8b: {  	s0 =	sand.u32 $0x1, s1  }
0x8c: {  	s17 =	sshll.u32 s0, $0xA;
	s2 =	sadd.s32 s3, s2  }
0x8d: {  	s2 =	sadd.s32 s2, s17  }
0x8e: {  	[smem:$0x3FC2] =	sst s2  }
0x8f: {  	_ = 	snop  }
0x90: {  	s2 =	sld [smem:$0x3FD0];
	(tm) =	ssettm $0x1  }
0x91: {  	s18 =	sld [smem:$0x3FFB];
	_ =	sdelay $0x3  }
0x92: {  	_ =	strace s18  }
0x93: {  	s3 =	sld [smem:$0x3FFC];
	_ =	sdelay $0x3  }
0x94: {  	_ =	strace s3  }
0x95: {  	s3 =	sld [smem:$0x3FFD];
	_ =	sdelay $0x3  }
0x96: {  	_ =	strace s3  }
0x97: {  	_ =	strace $0x8FFFFFFF  }
0x98: {  	s19 =	sld [smem:$0x3FDB];
	_ =	sdelay $0x1  }
0x99: {  	s4 =	simm.s32 $_scs_section_size  }
0x9a: {  	s5 =	simm.s32 $_size__tile_overlayer_lowered;
	s6 =	simm.s32 $_tile_overlayer_lowered  }
0x9b: {  	s22 =	simm.s32 $0x1BFF;
	s21 =	sshll.u32 s6, $0x1;
	s3 =	sadd.s32 s4, s19  }
0x9c: {  	s7 =	simm.s32 $0x0;
	s20 =	sshll.u32 s5, $0x1;
	s5 =	sadd.s32 s21, s3  }
0x9d: {  	[timem:s7], [sflag:s22] =	dma.local [hbm:s5], s20  }
0x9e: {  	_ =	swait.ge [sflag:s22], s20  }
0x9f: {  	s4 =	ssub.s32 $0x0, s20;
	[sflag:s22] =	ssyncset.done $0x0  }
0xa0: {  	[sflag:s22] =	ssyncadd.s32 s4;
	_ =	sdelay $0x1  }
0xa1: {  	s23 =	simm.s32 $0x1B8B  }
0xa2: {  	_ =	swait.ge [sflag:s23], $0x1  }
0xa3: {  	[sflag:s23] =	ssyncset.done $0x0  }
0xa4: {  	s25 =	simm.s32 $0x1B8E;
	s24 =	sld [smem:$0x3FFE];
	[sflag:s23] =	ssyncadd.s32 $0xFFFFFFFF  }
0xa5: {  	s26 =	simm.s32 $execute0_lowered;
	[smem:$0x3FD2] =	sst s25  }
0xa6: {  	s5 =	sshll.u32 s26, $0x1;
	_ =	strace $0x80000046;
	[dreg:$0x1] =	wrdreg $0xFFFFFFFF  }
0xa7: {  	s28 =	simm.s32 $_size_execute0_lowered;
	s3 =	sadd.s32 s3, s5;
	[dreg:$0x0] =	wrdreg $0x0  }
0xa8: {  	s5 =	sshll.u32 s28, $0x1;
	[dreg:$0x2] =	wrdreg s3  }
0xa9: {  	[dreg:$0x3] =	wrdreg s5  }
0xaa: {  	[dreg:$0x4] =	wrdreg $0xC0  }
0xab: {  	_ =	task [dreg:s7], $0x5FFFF  }
0xac: {  	[dreg:$0x1] =	wrdreg $0xFFFFFFFF  }
0xad: {  	[dreg:$0x0] =	wrdreg $0x60  }
0xae: {  	[dreg:$0x2] =	wrdreg s24  }
0xaf: {  	[dreg:$0x3] =	wrdreg s2  }
0xb0: {  	[dreg:$0x4] =	wrdreg $0x0  }
0xb1: {  	[dreg:$0x5] =	wrdreg $0x9  }
0xb2: {  	_ =	task.clear_ibuf [dreg:s7], $0x6FFFF;
	_ =	strace $0x90000046  }
0xb3: {  	s29 =	simm.s32 $0x9;
	_ =	strace $0x80000048  }
0xb4: {  	_ =	swait.ge [sflag:s29], $0x1  }
0xb5: {  	[sflag:s29] =	ssyncadd.s32 $0xFFFFFFFF  }
0xb6: {  	_ =	strace $0x90000048  }
0xb7: {  	_ =	sfence  }
0xb8: {  	s30 =	sld [smem:$0x0];
	_ =	sdelay $0x2  }
0xb9: {  	s31 =	sshll.u32 s1, $0xD;
	s1 =	sshrl.u32 s1, $0x2  }
0xba: {  	s3 =	sand.u32 $0x4000, s31;
	s1 =	sadd.s32 s1, s30  }
0xbb: {  	s0 =	sor.u32 s3, s0;
	s1 =	sshll.u32 s1, $0x11  }
0xbc: {  	s0 =	sor.u32 s1, s0  }
0xbd: {  	s0 =	sadd.s32 $0x8F2B, s0  }
0xbe: {  	[sflag:s0] =	ssyncadd.remote.s32 $0x1  }
0xbf: {  	_ =	sfence.sel $0xFFFF  }
0xc0: {  	[dreg:$0x0] =	wrdreg $0xFFFFFFFF;
	(pc) =	sbr.abs _section_cstart, $3  }
0xc1: {  	[dreg:$0x1] =	wrdreg $0xFFFFFFFF  }
0xc2: {  	_ =	task.clear_ibuf [dreg:s7], $0x2FFFF;
	_ =	strace $0x9FFFFFFF  }
0xc3: {  	(tm) =	ssettm $0x7FFFFFFF  }
tec
execute0_lowered:
.L_overlay_start_1:
0x0: {  	(tag) =	ssettag $0x1  }
0x1: {  	s6 =	rddreg [dreg:$0x0]  }
0x2: {  	s9 =	rddreg [dreg:$0x1]  }
0x3: {  	s2 =	rddreg [dreg:$0x2]  }
0x4: {  	s0 =	srdreg.scid;
	s1 =	rddreg [dreg:$0x3]  }
0x5: {  	s3 =	simm.s32 $0x0;
	s14 =	simm.s32 $0x7D;
	s7 =	sand.u32 $0x1, s0  }
0x6: {  	s15 =	simm.s32 $0x0;
	s0 =	stileid.u32;
	s4 =	smul.u32 $0x50000, s7  }
0x7: {  	[smem:$0x7FF] =	sst s3;
	s13 =	sadd.s32 $0x16800, s6;
	s5 =	smul.u32 $0x5000, s0  }
0x8: {  	_ =	strace $0x80000047;
	s10 =	ssub.s32 $0x2, s7;
	p0 =	seq.s32 s7, $0x1  }
0x9: {  	s12 =	smul.u32 $0x280, s0;
	s11 =	sshrl.u32 s10, $0x1;
	s9 =	smov.u32 @p0 s13  }
0xa: {  	s13 =	simm.s32 $0x1;
	s4 =	sadd.s32 s5, s4;
	s5 =	sadd.s32 $0x16600, s6  }
0xb: {  	s10 =	ssub.s32 s10, s11;
	s31 =	sshrl.u32 s12, $0x3;
	s7 =	sadd.s32 s12, s2  }
0xc: {  	s11 =	simm.s32 $0x2;
	s12 =	simm.s32 $0x5280;
	s4 =	sshrl.u32 s4, $0x3  }
0xd: {  	s9 =	sadd.s32 s9, s31;
	s8 =	sadd.s32 s4, s6;
	s4 =	sadd.s32 $0x16400, s6  }
0xe: {  	s6 =	sadd.s32 $0x2400, s8;
	s8 =	smax.u32 s10, $0x1;
	s10 =	simm.s32 $0x5300  }
.LBB2_1:
0xf: {  	s16 =	simm.s32 $0x280  }
0x10: {  	[tilespmem:s16], [sflag:$0x1] =	stream.linear.gather [hbm4b:s6+s3], $0x5000, $0x38;
	[tilespmem:$0x5580] =	vst v63  }
0x11: {  	_ = 	snop  }
0x12: {  	[tilespmem:s10], [sflag:$0x2] =	stream.linear.gather [hbm4b:s4+s3], $0x280, $0x38;
	[tilespmem:$0x5580] =	vst v63  }
0x13: {  	_ =	swait.ge [sflag:s11], $0x280  }
0x14: {  	[sflag:s11] =	ssyncset.done $0x0  }
0x15: {  	[sflag:s11] =	ssyncadd.s32 $0xFFFFFD80  }
0x16: {  	[spmem:s7] =	stream.linear.scatter [tilespmem:s10], [sflag:$0x2], $0x280, $0x38;
	[tilespmem:$0x5580] =	vst v63  }
0x17: {  	_ =	swait.ge [sflag:s11], $0x280  }
0x18: {  	[sflag:s11] =	ssyncset.done $0x0  }
0x19: {  	[sflag:s11] =	ssyncadd.s32 $0xFFFFFD80  }
0x1a: {  	[tilespmem:s12], [sflag:$0x2] =	stream.linear.gather [hbm4b:s5+s3], $0x80, $0x38;
	[tilespmem:$0x5580] =	vst v63  }
0x1b: {  	_ =	swait.ge [sflag:s11], $0x80  }
0x1c: {  	[sflag:s11] =	ssyncset.done $0x0  }
0x1d: {  	[sflag:s11] =	ssyncadd.s32 $0xFFFFFF80  }
0x1e: {  	_ =	swait.ge [sflag:s13], $0x5000  }
0x1f: {  	[sflag:s13] =	ssyncset.done $0x0  }
0x20: {  	p0 =	por $0x1, $0x1;
	[sflag:s13] =	ssyncadd.s32 $0xFFFFB000  }
0x21: {  	s18 =	simm.s32 @!p0 $0x1;
	[bflag:$0x0] =	sbarrier.arrive $0xFFFF  }
0x22: {  	_ =	swait.ge @!p0 [sflag:s18], $0x7D  }
0x23: {  	[sflag:s18] =	ssyncset.done @!p0 $0x0  }
0x24: {  	s17 =	simm.s32 $0x1;
	[sflag:s18] =	ssyncadd.s32 @!p0 $0xFFFFFF83;
	s18 =	simm.s32 $0x300  }
.LBB2_2:
0x25: {  	[spmem:s2] =	stream.indirect.scatter.add.f32 [tilespmem:s12], [sflag:$0x1], $0x1, s16, s14, $0xb8;
	[tilespmem:$0x5580] =	vst v63  }
0x26: {  	p0 =	slt.u32 s17, $0x10;
	s17 =	sadd.s32 $0x1, s17  }
0x27: {  	p1 =	sne.s32 s17, $0xA0  }
.Ltmp0:
0x28: {  	(pc) =	sbr.rel @p1 .LBB2_2-.Ltmp0, $4  }
0x29: {  	s16 =	smov.u32 s18;
	s19 =	simm.s32 @!p0 $0x1  }
0x2a: {  	_ =	swait.ge @!p0 [sflag:s19], $0x7D  }
0x2b: {  	[sflag:s19] =	ssyncset.done @!p0 $0x0  }
0x2c: {  	s18 =	sadd.s32 $0x80, s18;
	[sflag:s19] =	ssyncadd.s32 @!p0 $0xFFFFFF83  }
0x2d: {  	[spmem:s2] =	stream.indirect.scatter.add.f32 [tilespmem:s12], [sflag:$0x1], $0x1, s16, s14, $0xb8;
	[tilespmem:$0x5580] =	vst v63  }
0x2e: {  	_ =	swait.ge [sflag:s13], $0x7D  }
0x2f: {  	[sflag:s13] =	ssyncset.done $0x0  }
0x30: {  	[sflag:s13] =	ssyncadd.s32 $0xFFFFFF83  }
0x31: {  	_ =	swait.ge [sflag:s13], $0x7D  }
0x32: {  	[sflag:s13] =	ssyncset.done $0x0  }
0x33: {  	[sflag:s13] =	ssyncadd.s32 $0xFFFFFF83  }
0x34: {  	_ =	swait.ge [sflag:s13], $0x7D  }
0x35: {  	[sflag:s13] =	ssyncset.done $0x0  }
0x36: {  	[sflag:s13] =	ssyncadd.s32 $0xFFFFFF83  }
0x37: {  	_ =	swait.ge [sflag:s13], $0x7D  }
0x38: {  	[sflag:s13] =	ssyncset.done $0x0  }
0x39: {  	[sflag:s13] =	ssyncadd.s32 $0xFFFFFF83  }
0x3a: {  	_ =	swait.ge [sflag:s13], $0x7D  }
0x3b: {  	[sflag:s13] =	ssyncset.done $0x0  }
0x3c: {  	[sflag:s13] =	ssyncadd.s32 $0xFFFFFF83  }
0x3d: {  	_ =	swait.ge [sflag:s13], $0x7D  }
0x3e: {  	[sflag:s13] =	ssyncset.done $0x0  }
0x3f: {  	[sflag:s13] =	ssyncadd.s32 $0xFFFFFF83  }
0x40: {  	_ =	swait.ge [sflag:s13], $0x7D  }
0x41: {  	[sflag:s13] =	ssyncset.done $0x0  }
0x42: {  	[sflag:s13] =	ssyncadd.s32 $0xFFFFFF83  }
0x43: {  	_ =	swait.ge [sflag:s13], $0x7D  }
0x44: {  	[sflag:s13] =	ssyncset.done $0x0  }
0x45: {  	[sflag:s13] =	ssyncadd.s32 $0xFFFFFF83  }
0x46: {  	_ =	swait.ge [sflag:s13], $0x7D  }
0x47: {  	[sflag:s13] =	ssyncset.done $0x0  }
0x48: {  	[sflag:s13] =	ssyncadd.s32 $0xFFFFFF83  }
0x49: {  	_ =	swait.ge [sflag:s13], $0x7D  }
0x4a: {  	[sflag:s13] =	ssyncset.done $0x0  }
0x4b: {  	[sflag:s13] =	ssyncadd.s32 $0xFFFFFF83  }
0x4c: {  	_ =	swait.ge [sflag:s13], $0x7D  }
0x4d: {  	[sflag:s13] =	ssyncset.done $0x0  }
0x4e: {  	[sflag:s13] =	ssyncadd.s32 $0xFFFFFF83  }
0x4f: {  	_ =	swait.ge [sflag:s13], $0x7D  }
0x50: {  	[sflag:s13] =	ssyncset.done $0x0  }
0x51: {  	[sflag:s13] =	ssyncadd.s32 $0xFFFFFF83  }
0x52: {  	_ =	swait.ge [sflag:s13], $0x7D  }
0x53: {  	[sflag:s13] =	ssyncset.done $0x0  }
0x54: {  	[sflag:s13] =	ssyncadd.s32 $0xFFFFFF83  }
0x55: {  	_ =	swait.ge [sflag:s13], $0x7D  }
0x56: {  	[sflag:s13] =	ssyncset.done $0x0  }
0x57: {  	[sflag:s13] =	ssyncadd.s32 $0xFFFFFF83  }
0x58: {  	_ =	swait.ge [sflag:s13], $0x7D  }
0x59: {  	[sflag:s13] =	ssyncset.done $0x0  }
0x5a: {  	[sflag:s13] =	ssyncadd.s32 $0xFFFFFF83  }
0x5b: {  	_ =	swait.ge [sflag:s13], $0x7D  }
0x5c: {  	[sflag:s13] =	ssyncset.done $0x0  }
0x5d: {  	[sflag:s13] =	ssyncadd.s32 $0xFFFFFF83  }
0x5e: {  	[bflag:$0x0] =	sbarrier.arrive $0xFFFF  }
0x5f: {  	[tilespmem:s10], [sflag:$0x2] =	stream.linear.gather [spmem:s7], $0x280, $0x38;
	[tilespmem:$0x5580] =	vst v63  }
0x60: {  	s15 =	sadd.s32 $0x1, s15;
	_ =	swait.ge [sflag:s11], $0x280  }
0x61: {  	p0 =	sne.s32 s15, s8;
	[sflag:s11] =	ssyncset.done $0x0  }
.Ltmp1:
0x62: {  	[sflag:s11] =	ssyncadd.s32 $0xFFFFFD80;
	(pc) =	sbr.rel @p0 .LBB2_1-.Ltmp1, $4  }
0x63: {  	[hbm4b:s9+s3] =	stream.linear.scatter [tilespmem:s10], [sflag:$0x2], $0x280, $0x38;
	[tilespmem:$0x5580] =	vst v63  }
0x64: {  	_ =	swait.ge [sflag:s11], $0x280  }
0x65: {  	[sflag:s11] =	ssyncset.done $0x0  }
0x66: {  	[sflag:s11] =	ssyncadd.s32 $0xFFFFFD80  }
0x67: {  	_ =	sfence.sel $0x180000  }
0x68: {  	[bflag:$0x0] =	sbarrier.arrive $0xFFFF  }
0x69: {  	p0 =	sne.s32 s0, $0x0;
	_ =	strace $0x90000047  }
0x6a: {  	s0 =	sadd.s32 @!p0 $0x100000, s1;
	[bflag:$0x2] =	sbarrier.arrive $0xFFFF  }
0x6b: {  	[sflag:s0] =	ssyncadd.tile.s32 @!p0 $0x1;
	_ =	shalt  }
.Lfunc_end2:
_tile_overlayer_lowered:
.L_overlay_start_2:
0x6c: {  	(tag) =	ssettag $0x2  }
0x6d: {  	s0 =	rddreg [dreg:$0x0];
	s2 =	stileid.u32  }
0x6e: {  	s1 =	rddreg [dreg:$0x1];
	p0 =	sne.s32 s2, $0x0  }
0x6f: {  	s3 =	rddreg [dreg:$0x2];
	[bflag:$0x3] =	sbarrier.arrive $0xFFFF;
	s2 =	simm.s32 @!p0 $0x1C02  }
0x70: {  	[timem:s3], [sflag:s2] =	dma.local @!p0 [hbm:s0], s1  }
0x71: {  	s0 =	simm.s32 @!p0 $0x2  }
0x72: {  	_ =	swait.ge @!p0 [sflag:s0], s1  }
0x73: {  	s1 =	ssub.s32 @!p0 $0x0, s1;
	[sflag:s0] =	ssyncset.done @!p0 $0x0  }
0x74: {  	[sflag:s0] =	ssyncadd.s32 @!p0 s1  }
0x75: {  	[bflag:$0x3] =	sbarrier.arrive $0xFFFF  }
0x76: {  	_ =	shalt  }

// kernel: kernel.9.cloned.1.call-start
scs
__scs_entry_jumppad:
0x0: {  	(pc) =	sbr.rel $0x88, $3  }
0x1: {  	(tag) =	ssettag $0x0;
	lr =	simm.s32 $0x1  }
0x2: {  	[smem:$0x3F9B] =	sst lr;
	_ =	strace $0xD0000000  }
0x3: {  	_ = 	snop  }
0x4: {  	_ = 	snop  }
0x5: {  	_ = 	snop  }
0x6: {  	_ = 	snop  }
0x7: {  	_ = 	snop  }
__scs_overlays_trampoline_lowered:
0x8: {  	[smem:$0x3FAA] =	sst s0  }
0x9: {  	[smem:$0x3FAB] =	sst s1  }
0xa: {  	[smem:$0x3FAC] =	sst s2  }
0xb: {  	[smem:$0x3FAD] =	sst s3  }
0xc: {  	[smem:$0x3FAE] =	sst s4  }
0xd: {  	[smem:$0x3FAF] =	sst s5  }
0xe: {  	[smem:$0x3FB0] =	sst s6  }
0xf: {  	[smem:$0x3FB1] =	sst s7  }
0x10: {  	[smem:$0x3FB2] =	sst s8  }
0x11: {  	[smem:$0x3FB3] =	sst s9;
	s0 =	simm.s32 @!p0 $0x0  }
0x12: {  	s1 =	sld [smem:$0x3F99];
	s0 =	simm.s32 @p0 $0x1  }
0x13: {  	[smem:$0x3FB4] =	sst s0;
	s0 =	simm.s32 @!p1 $0x0  }
0x14: {  	s2 =	sld [smem:$0x3F98];
	s0 =	simm.s32 @p1 $0x1  }
0x15: {  	[smem:$0x3FB5] =	sst s0;
	s0 =	simm.s32 @!p2 $0x0  }
0x16: {  	s3 =	sld [smem:$0x3FDB];
	s0 =	simm.s32 @p2 $0x1  }
0x17: {  	s4 =	simm.s32 $0x1BF5;
	[smem:$0x3FB7] =	sst s0  }
0x18: {  	s0 =	sld [smem:$0x3F9A];
	_ =	swait.ge [sflag:s4], $0x0  }
0x19: {  	s7 =	sld [smem:$0x3F9B]  }
0x1a: {  	s8 =	sadd.s32 $0xFFFFE003, lr  }
0x1b: {  	s9 =	sadd.s32 $0xFFFFFEF7, lr;
	s5 =	simm.s32 $0xFFFFFFFF;
	p2 =	slt.u32 s8, $0xFFFFF086  }
0x1c: {  	p1 =	slt.u32 s9, $0xF7A;
	s5 =	simm.s32 @!p2 $0x0  }
0x1d: {  	s5 =	simm.s32 @p1 $0x1;
	p0 =	seq.s32 s7, s2  }
0x1e: {  	s7 =	smul.u32 @!p0 $0xF7A, s2;
	p2 =	seq.s32 @!p0 s5, $0x0  }
0x1f: {  	s9 =	smul.u32 $0xF7A, s1;
	s8 =	simm.s32 @!p0 $0x1BF5;
	p2 =	por !p2, p0  }
0x20: {  	[sflag:s8] =	ssyncset.s32 @!p0 $0xFFFFF086;
	s6 =	sadd.s32 @!p0 s3, s7;
	s7 =	simm.s32 @!p0 $0x108  }
0x21: {  	s3 =	sadd.s32 s3, s9;
	s6 =	sadd.s32 @!p0 $0x88, s6;
	s7 =	simm.s32 @p2 $0x1082  }
0x22: {  	[simem:s7], [sflag:s8] =	dma.local @!p0 [hbm:s6], $0xF7A  }
0x23: {  	s9 =	sor.u32 $0xD0000000, s2;
	s6 =	simm.s32 $0x108;
	_ =	swait.ge @!p0 [sflag:s8], $0x0  }
0x24: {  	s3 =	sadd.s32 $0x88, s3;
	s6 =	simm.s32 @!p1 $0x1082;
	[sflag:s4] =	ssyncset.s32 $0xFFFFF086  }
0x25: {  	[simem:s6], [sflag:s4] =	dma.local [hbm:s3], $0xF7A  }
0x26: {  	[smem:$0x3F9B] =	sst s1;
	(tag) =	ssettag s2;
	_ =	strace s9  }
0x27: {  	s1 =	sld [smem:$0x3FAB]  }
0x28: {  	s2 =	sld [smem:$0x3FAC]  }
0x29: {  	s4 =	sld [smem:$0x3FAE]  }
0x2a: {  	p0 =	seq.s32 s5, $0x0;
	s5 =	sld [smem:$0x3FAF]  }
0x2b: {  	s6 =	sld [smem:$0x3FB0]  }
0x2c: {  	s7 =	sld [smem:$0x3FB1]  }
0x2d: {  	s3 =	simm.s32 $0x108;
	s8 =	sld [smem:$0x3FB2]  }
0x2e: {  	s3 =	simm.s32 @!p0 $0x1082;
	s9 =	sld [smem:$0x3FB3]  }
0x2f: {  	lr =	sadd.s32 s0, s3;
	s0 =	sld [smem:$0x3FAA]  }
0x30: {  	s3 =	sld [smem:$0x3FAD]  }
0x31: {  	[smem:$0x3FB6] =	sst s10  }
0x32: {  	s10 =	sld [smem:$0x3FB4];
	_ =	sdelay $0x3  }
0x33: {  	p0 =	seq.s32 s10, $0x1;
	s10 =	sld [smem:$0x3FB6];
	_ =	sdelay $0x3  }
0x34: {  	[smem:$0x3FB6] =	sst s10  }
0x35: {  	s10 =	sld [smem:$0x3FB5];
	_ =	sdelay $0x3  }
0x36: {  	p1 =	seq.s32 s10, $0x1;
	s10 =	sld [smem:$0x3FB6];
	_ =	sdelay $0x3  }
0x37: {  	[smem:$0x3FB6] =	sst s10  }
0x38: {  	s10 =	sld [smem:$0x3FB7]  }
0x39: {  	_ = 	snop;
	(pc) =	sbr.ind lr, $3  }
0x3a: {  	_ = 	snop  }
0x3b: {  	_ = 	snop  }
0x3c: {  	p2 =	seq.s32 s10, $0x1;
	s10 =	sld [smem:$0x3FB6]  }
0x3d: {  	_ =	shalt  }
0x3e: {  	_ =	shalt  }
0x3f: {  	_ =	shalt  }
0x40: {  	_ =	shalt  }
0x41: {  	_ =	shalt  }
0x42: {  	_ =	shalt  }
0x43: {  	_ =	shalt  }
0x44: {  	_ =	shalt  }
0x45: {  	_ =	shalt  }
0x46: {  	_ =	shalt  }
0x47: {  	_ =	shalt  }
0x48: {  	_ =	shalt  }
0x49: {  	_ =	shalt  }
0x4a: {  	_ =	shalt  }
0x4b: {  	_ =	shalt  }
0x4c: {  	_ =	shalt  }
0x4d: {  	_ =	shalt  }
0x4e: {  	_ =	shalt  }
0x4f: {  	_ =	shalt  }
0x50: {  	_ =	shalt  }
0x51: {  	_ =	shalt  }
0x52: {  	_ =	shalt  }
0x53: {  	_ =	shalt  }
0x54: {  	_ =	shalt  }
0x55: {  	_ =	shalt  }
0x56: {  	_ =	shalt  }
0x57: {  	_ =	shalt  }
0x58: {  	_ =	shalt  }
0x59: {  	_ =	shalt  }
0x5a: {  	_ =	shalt  }
0x5b: {  	_ =	shalt  }
0x5c: {  	_ =	shalt  }
0x5d: {  	_ =	shalt  }
0x5e: {  	_ =	shalt  }
0x5f: {  	_ =	shalt  }
0x60: {  	_ =	shalt  }
0x61: {  	_ =	shalt  }
0x62: {  	_ =	shalt  }
0x63: {  	_ =	shalt  }
0x64: {  	_ =	shalt  }
0x65: {  	_ =	shalt  }
0x66: {  	_ =	shalt  }
0x67: {  	_ =	shalt  }
0x68: {  	_ =	shalt  }
0x69: {  	_ =	shalt  }
0x6a: {  	_ =	shalt  }
0x6b: {  	_ =	shalt  }
0x6c: {  	_ =	shalt  }
0x6d: {  	_ =	shalt  }
0x6e: {  	_ =	shalt  }
0x6f: {  	_ =	shalt  }
0x70: {  	_ =	shalt  }
0x71: {  	_ =	shalt  }
0x72: {  	_ =	shalt  }
0x73: {  	_ =	shalt  }
0x74: {  	_ =	shalt  }
0x75: {  	_ =	shalt  }
0x76: {  	_ =	shalt  }
0x77: {  	_ =	shalt  }
0x78: {  	_ =	shalt  }
0x79: {  	_ =	shalt  }
0x7a: {  	_ =	shalt  }
0x7b: {  	_ =	shalt  }
0x7c: {  	_ =	shalt  }
0x7d: {  	_ =	shalt  }
0x7e: {  	_ =	shalt  }
0x7f: {  	_ =	shalt  }
0x80: {  	_ =	shalt  }
0x81: {  	_ =	shalt  }
0x82: {  	_ =	shalt  }
0x83: {  	_ =	shalt  }
0x84: {  	_ =	shalt  }
0x85: {  	_ =	shalt  }
0x86: {  	_ =	shalt  }
0x87: {  	_ =	shalt  }
.Lfunc_end0:
.L_simem_size_0:
called_computation.1_lowered:
.L_overlay_start_0:
0x88: {  	s2 =	sld [smem:$0x3FD9]  }
0x89: {  	s3 =	sld [smem:$0x3FFE];
	_ =	sdelay $0x1  }
0x8a: {  	s1 =	srdreg.scid  }
0x8b: {  	s0 =	sand.u32 $0x1, s1  }
0x8c: {  	s17 =	sshll.u32 s0, $0xA;
	s2 =	sadd.s32 s3, s2  }
0x8d: {  	s2 =	sadd.s32 s2, s17  }
0x8e: {  	[smem:$0x3FC2] =	sst s2  }
0x8f: {  	_ = 	snop  }
0x90: {  	s2 =	sld [smem:$0x3FD0];
	(tm) =	ssettm $0x1  }
0x91: {  	s18 =	sld [smem:$0x3FFB];
	_ =	sdelay $0x3  }
0x92: {  	_ =	strace s18  }
0x93: {  	s3 =	sld [smem:$0x3FFC];
	_ =	sdelay $0x3  }
0x94: {  	_ =	strace s3  }
0x95: {  	s3 =	sld [smem:$0x3FFD];
	_ =	sdelay $0x3  }
0x96: {  	_ =	strace s3  }
0x97: {  	_ =	strace $0x8FFFFFFF  }
0x98: {  	s19 =	sld [smem:$0x3FDB];
	_ =	sdelay $0x1  }
0x99: {  	s4 =	simm.s32 $_scs_section_size  }
0x9a: {  	s5 =	simm.s32 $_size__tile_overlayer_lowered;
	s6 =	simm.s32 $_tile_overlayer_lowered  }
0x9b: {  	s22 =	simm.s32 $0x1BFF;
	s21 =	sshll.u32 s6, $0x1;
	s3 =	sadd.s32 s4, s19  }
0x9c: {  	s7 =	simm.s32 $0x0;
	s20 =	sshll.u32 s5, $0x1;
	s5 =	sadd.s32 s21, s3  }
0x9d: {  	[timem:s7], [sflag:s22] =	dma.local [hbm:s5], s20  }
0x9e: {  	_ =	swait.ge [sflag:s22], s20  }
0x9f: {  	s4 =	ssub.s32 $0x0, s20;
	[sflag:s22] =	ssyncset.done $0x0  }
0xa0: {  	[sflag:s22] =	ssyncadd.s32 s4;
	_ =	sdelay $0x1  }
0xa1: {  	s23 =	simm.s32 $0x1B8B  }
0xa2: {  	_ =	swait.ge [sflag:s23], $0x1  }
0xa3: {  	[sflag:s23] =	ssyncset.done $0x0  }
0xa4: {  	s25 =	simm.s32 $0x1B8E;
	s24 =	sld [smem:$0x3FFE];
	[sflag:s23] =	ssyncadd.s32 $0xFFFFFFFF  }
0xa5: {  	s26 =	simm.s32 $execute0_lowered;
	[smem:$0x3FD2] =	sst s25  }
0xa6: {  	s5 =	sshll.u32 s26, $0x1;
	_ =	strace $0x80000049;
	[dreg:$0x1] =	wrdreg $0xFFFFFFFF  }
0xa7: {  	s28 =	simm.s32 $_size_execute0_lowered;
	s3 =	sadd.s32 s3, s5;
	[dreg:$0x0] =	wrdreg $0x0  }
0xa8: {  	s5 =	sshll.u32 s28, $0x1;
	[dreg:$0x2] =	wrdreg s3  }
0xa9: {  	[dreg:$0x3] =	wrdreg s5  }
0xaa: {  	[dreg:$0x4] =	wrdreg $0xC0  }
0xab: {  	_ =	task [dreg:s7], $0x5FFFF  }
0xac: {  	[dreg:$0x1] =	wrdreg $0xFFFFFFFF  }
0xad: {  	[dreg:$0x0] =	wrdreg $0x60  }
0xae: {  	[dreg:$0x2] =	wrdreg s24  }
0xaf: {  	[dreg:$0x3] =	wrdreg s2  }
0xb0: {  	[dreg:$0x4] =	wrdreg $0x0  }
0xb1: {  	[dreg:$0x5] =	wrdreg $0x9  }
0xb2: {  	_ =	task.clear_ibuf [dreg:s7], $0x6FFFF;
	_ =	strace $0x90000049  }
0xb3: {  	s29 =	simm.s32 $0x9;
	_ =	strace $0x8000004B  }
0xb4: {  	_ =	swait.ge [sflag:s29], $0x1  }
0xb5: {  	[sflag:s29] =	ssyncadd.s32 $0xFFFFFFFF  }
0xb6: {  	_ =	strace $0x9000004B  }
0xb7: {  	_ =	sfence  }
0xb8: {  	s30 =	sld [smem:$0x0];
	_ =	sdelay $0x2  }
0xb9: {  	s31 =	sshll.u32 s1, $0xD;
	s1 =	sshrl.u32 s1, $0x2  }
0xba: {  	s3 =	sand.u32 $0x4000, s31;
	s1 =	sadd.s32 s1, s30  }
0xbb: {  	s0 =	sor.u32 s3, s0;
	s1 =	sshll.u32 s1, $0x11  }
0xbc: {  	s0 =	sor.u32 s1, s0  }
0xbd: {  	s0 =	sadd.s32 $0x8F2B, s0  }
0xbe: {  	[sflag:s0] =	ssyncadd.remote.s32 $0x1  }
0xbf: {  	_ =	sfence.sel $0xFFFF  }
0xc0: {  	[dreg:$0x0] =	wrdreg $0xFFFFFFFF;
	(pc) =	sbr.abs _section_cstart, $3  }
0xc1: {  	[dreg:$0x1] =	wrdreg $0xFFFFFFFF  }
0xc2: {  	_ =	task.clear_ibuf [dreg:s7], $0x2FFFF;
	_ =	strace $0x9FFFFFFF  }
0xc3: {  	(tm) =	ssettm $0x7FFFFFFF  }
tec
execute0_lowered:
.L_overlay_start_1:
0x0: {  	(tag) =	ssettag $0x1  }
0x1: {  	s1 =	rddreg [dreg:$0x0]  }
0x2: {  	s0 =	srdreg.scid;
	s2 =	rddreg [dreg:$0x1]  }
0x3: {  	s9 =	stileid.u32;
	s3 =	rddreg [dreg:$0x2]  }
0x4: {  	s0 =	sand.u32 $0x1, s0;
	s7 =	sadd.s32 $0x16E00, s1;
	s8 =	smul.u32 $0x14000, s9  }
0x5: {  	s18 =	smul.u32 $0x50000, s9;
	s4 =	sshll.u32 s0, $0x4;
	s6 =	ssub.s32 $0x2, s0  }
0x6: {  	s0 =	smul.u32 $0x140000, s0;
	s5 =	sor.u32 s9, s4;
	s4 =	simm.s32 $0x0  }
0x7: {  	s16 =	sshrl.u32 s6, $0x1;
	s9 =	sadd.s32 $0x5000, s8;
	s11 =	sadd.s32 $0xA000, s8  }
0x8: {  	s12 =	sor.u32 $0x2800, s8;
	s13 =	sadd.s32 $0xF000, s8;
	s14 =	sadd.s32 $0x7800, s8  }
0x9: {  	s5 =	smul.u32 $0x2800, s5;
	[smem:$0x7FF] =	sst s4;
	s6 =	ssub.s32 s6, s16  }
0xa: {  	s10 =	sadd.s32 s0, s8;
	s24 =	sadd.s32 s0, s12;
	s15 =	sadd.s32 s0, s9  }
0xb: {  	s26 =	sadd.s32 s0, s14;
	s16 =	sadd.s32 s0, s11;
	_ =	strace $0x8000004A  }
0xc: {  	[dreg:$0x4] =	wrdreg s7;
	s10 =	sshrl.u32 s10, $0x3;
	s25 =	sshrl.u32 s15, $0x3  }
0xd: {  	s15 =	sshrl.u32 s26, $0x3;
	s26 =	sadd.s32 s12, s3;
	s5 =	sshrl.u32 s5, $0x3  }
0xe: {  	s7 =	simm.s32 $0x1;
	s12 =	simm.s32 $0x15480;
	s5 =	sadd.s32 s5, s1  }
0xf: {  	[dreg:$0x12] =	wrdreg s26;
	s1 =	sadd.s32 $0x17400, s1;
	s17 =	sadd.s32 $0x2400, s5  }
0x10: {  	s10 =	sadd.s32 s1, s10;
	s21 =	sadd.s32 $0xC400, s5;
	[dreg:$0x5] =	wrdreg s17  }
0x11: {  	s22 =	sadd.s32 $0x2680, s5;
	s23 =	sadd.s32 $0xC680, s5;
	[dreg:$0x6] =	wrdreg s10  }
0x12: {  	s5 =	simm.s32 $0x14000;
	s10 =	sshrl.u32 s24, $0x3;
	[dreg:$0xe] =	wrdreg s21  }
0x13: {  	s17 =	sadd.s32 $0xC800, s8;
	s8 =	sadd.s32 $0x11800, s8;
	[dreg:$0xf] =	wrdreg s22  }
0x14: {  	[dreg:$0x10] =	wrdreg s23;
	s24 =	sshrl.u32 s18, $0x2;
	s21 =	sadd.s32 s11, s3  }
0x15: {  	s22 =	sadd.s32 s13, s3;
	s11 =	simm.s32 $0x14080;
	s10 =	sadd.s32 s1, s10  }
0x16: {  	s19 =	sadd.s32 s0, s17;
	s18 =	sadd.s32 s24, s3;
	s24 =	sadd.s32 s14, s3  }
0x17: {  	s26 =	sadd.s32 s8, s3;
	s14 =	simm.s32 $0x14100;
	[dreg:$0x7] =	wrdreg s10  }
0x18: {  	s10 =	sadd.s32 s1, s25;
	s25 =	smax.u32 s6, $0x1;
	s28 =	sadd.s32 $0x2800, s18  }
0x19: {  	s29 =	sadd.s32 $0x7800, s18;
	s30 =	sadd.s32 $0xC800, s18;
	s31 =	sadd.s32 $0x11800, s18  }
0x1a: {  	s6 =	simm.s32 $0x15400;
	[dreg:$0x8] =	wrdreg s10;
	s10 =	sadd.s32 s1, s15  }
0x1b: {  	s15 =	sshrl.u32 s16, $0x3;
	s16 =	sadd.s32 s0, s13;
	s0 =	sadd.s32 s0, s8  }
0x1c: {  	[dreg:$0x11] =	wrdreg s25;
	s25 =	sadd.s32 s17, s3;
	s8 =	simm.s32 $0x7D  }
0x1d: {  	s13 =	simm.s32 $0x3;
	[dreg:$0x9] =	wrdreg s10;
	s15 =	sadd.s32 s1, s15  }
0x1e: {  	s20 =	sshrl.u32 s16, $0x3;
	s0 =	sshrl.u32 s0, $0x3;
	[dreg:$0xa] =	wrdreg s15  }
.Ltmp0:
0x1f: {  	s15 =	sshrl.u32 s19, $0x3;
	s0 =	sadd.s32 s1, s0;
	(pc) =	sbr.rel .LBB2_1-.Ltmp0, $4  }
0x20: {  	s10 =	simm.s32 $0x2;
	s15 =	sadd.s32 s1, s15;
	[dreg:$0xd] =	wrdreg s0  }
0x21: {  	s16 =	simm.s32 $0x0;
	s0 =	simm.s32 $0x5;
	[dreg:$0xb] =	wrdreg s15  }
0x22: {  	s15 =	sadd.s32 s1, s20;
	s20 =	sadd.s32 s9, s3;
	s1 =	simm.s32 $0x1A800  }
0x23: {  	s9 =	simm.s32 $0x16800;
	[dreg:$0xc] =	wrdreg s15;
	s15 =	simm.s32 $0x4  }
.LBB2_7:
0x24: {  	_ =	swait.ge [sflag:s15], $0x3E80  }
0x25: {  	[sflag:s15] =	ssyncset.done $0x0  }
0x26: {  	[sflag:s15] =	ssyncadd.s32 $0xFFFFC180  }
0x27: {  	[bflag:$0x0] =	sbarrier.arrive $0xFFFF  }
0x28: {  	[tilespmem:s9], [sflag:$0x1] =	stream.linear.gather [spmem:s18], $0x2800, $0x38;
	[tilespmem:$0x1E800] =	vst v63  }
0x29: {  	_ =	swait.ge [sflag:s7], $0x2800  }
0x2a: {  	[sflag:s7] =	ssyncset.done $0x0  }
0x2b: {  	s17 =	rddreg [dreg:$0x12];
	[sflag:s7] =	ssyncadd.s32 $0xFFFFD800  }
0x2c: {  	[tilespmem:s1], [sflag:$0x2] =	stream.linear.gather [spmem:s17], $0x2800, $0x38;
	[tilespmem:$0x1E800] =	vst v63  }
0x2d: {  	s23 =	rddreg [dreg:$0x6]  }
0x2e: {  	[hbm4b:s23+s4] =	stream.linear.scatter [tilespmem:s9], [sflag:$0x5], $0x2800, $0x38;
	[tilespmem:$0x1E800] =	vst v63  }
0x2f: {  	_ =	swait.ge [sflag:s0], $0x2800  }
0x30: {  	[sflag:s0] =	ssyncset.done $0x0  }
0x31: {  	[sflag:s0] =	ssyncadd.s32 $0xFFFFD800  }
0x32: {  	_ =	swait.ge [sflag:s10], $0x2800  }
0x33: {  	[sflag:s10] =	ssyncset.done $0x0  }
0x34: {  	[sflag:s10] =	ssyncadd.s32 $0xFFFFD800  }
0x35: {  	[tilespmem:s9], [sflag:$0x1] =	stream.linear.gather [spmem:s20], $0x2800, $0x38;
	[tilespmem:$0x1E800] =	vst v63  }
0x36: {  	s19 =	rddreg [dreg:$0x7]  }
0x37: {  	[hbm4b:s19+s4] =	stream.linear.scatter [tilespmem:s1], [sflag:$0x5], $0x2800, $0x38;
	[tilespmem:$0x1E800] =	vst v63  }
0x38: {  	_ =	swait.ge [sflag:s0], $0x2800  }
0x39: {  	[sflag:s0] =	ssyncset.done $0x0  }
0x3a: {  	[sflag:s0] =	ssyncadd.s32 $0xFFFFD800  }
0x3b: {  	_ =	swait.ge [sflag:s7], $0x2800  }
0x3c: {  	[sflag:s7] =	ssyncset.done $0x0  }
0x3d: {  	[sflag:s7] =	ssyncadd.s32 $0xFFFFD800  }
0x3e: {  	[tilespmem:s1], [sflag:$0x2] =	stream.linear.gather [spmem:s24], $0x2800, $0x38;
	[tilespmem:$0x1E800] =	vst v63  }
0x3f: {  	s23 =	rddreg [dreg:$0x8]  }
0x40: {  	[hbm4b:s23+s4] =	stream.linear.scatter [tilespmem:s9], [sflag:$0x5], $0x2800, $0x38;
	[tilespmem:$0x1E800] =	vst v63  }
0x41: {  	_ =	swait.ge [sflag:s0], $0x2800  }
0x42: {  	[sflag:s0] =	ssyncset.done $0x0  }
0x43: {  	[sflag:s0] =	ssyncadd.s32 $0xFFFFD800  }
0x44: {  	_ =	swait.ge [sflag:s10], $0x2800  }
0x45: {  	[sflag:s10] =	ssyncset.done $0x0  }
0x46: {  	[sflag:s10] =	ssyncadd.s32 $0xFFFFD800  }
0x47: {  	[tilespmem:s9], [sflag:$0x1] =	stream.linear.gather [spmem:s21], $0x2800, $0x38;
	[tilespmem:$0x1E800] =	vst v63  }
0x48: {  	s19 =	rddreg [dreg:$0x9]  }
0x49: {  	[hbm4b:s19+s4] =	stream.linear.scatter [tilespmem:s1], [sflag:$0x5], $0x2800, $0x38;
	[tilespmem:$0x1E800] =	vst v63  }
0x4a: {  	_ =	swait.ge [sflag:s0], $0x2800  }
0x4b: {  	[sflag:s0] =	ssyncset.done $0x0  }
0x4c: {  	[sflag:s0] =	ssyncadd.s32 $0xFFFFD800  }
0x4d: {  	_ =	swait.ge [sflag:s7], $0x2800  }
0x4e: {  	[sflag:s7] =	ssyncset.done $0x0  }
0x4f: {  	[sflag:s7] =	ssyncadd.s32 $0xFFFFD800  }
0x50: {  	[tilespmem:s1], [sflag:$0x2] =	stream.linear.gather [spmem:s25], $0x2800, $0x38;
	[tilespmem:$0x1E800] =	vst v63  }
0x51: {  	s23 =	rddreg [dreg:$0xa]  }
0x52: {  	[hbm4b:s23+s4] =	stream.linear.scatter [tilespmem:s9], [sflag:$0x5], $0x2800, $0x38;
	[tilespmem:$0x1E800] =	vst v63  }
0x53: {  	_ =	swait.ge [sflag:s0], $0x2800  }
0x54: {  	[sflag:s0] =	ssyncset.done $0x0  }
0x55: {  	[sflag:s0] =	ssyncadd.s32 $0xFFFFD800  }
0x56: {  	_ =	swait.ge [sflag:s10], $0x2800  }
0x57: {  	[sflag:s10] =	ssyncset.done $0x0  }
0x58: {  	[sflag:s10] =	ssyncadd.s32 $0xFFFFD800  }
0x59: {  	[tilespmem:s9], [sflag:$0x1] =	stream.linear.gather [spmem:s22], $0x2800, $0x38;
	[tilespmem:$0x1E800] =	vst v63  }
0x5a: {  	s19 =	rddreg [dreg:$0xb]  }
0x5b: {  	[hbm4b:s19+s4] =	stream.linear.scatter [tilespmem:s1], [sflag:$0x5], $0x2800, $0x38;
	[tilespmem:$0x1E800] =	vst v63  }
0x5c: {  	_ =	swait.ge [sflag:s0], $0x2800  }
0x5d: {  	[sflag:s0] =	ssyncset.done $0x0  }
0x5e: {  	[sflag:s0] =	ssyncadd.s32 $0xFFFFD800  }
0x5f: {  	_ =	swait.ge [sflag:s7], $0x2800  }
0x60: {  	[sflag:s7] =	ssyncset.done $0x0  }
0x61: {  	[sflag:s7] =	ssyncadd.s32 $0xFFFFD800  }
0x62: {  	[tilespmem:s1], [sflag:$0x2] =	stream.linear.gather [spmem:s26], $0x2800, $0x38;
	[tilespmem:$0x1E800] =	vst v63  }
0x63: {  	s23 =	rddreg [dreg:$0xc]  }
0x64: {  	[hbm4b:s23+s4] =	stream.linear.scatter [tilespmem:s9], [sflag:$0x5], $0x2800, $0x38;
	[tilespmem:$0x1E800] =	vst v63  }
0x65: {  	_ =	swait.ge [sflag:s0], $0x2800  }
0x66: {  	[sflag:s0] =	ssyncset.done $0x0  }
0x67: {  	[sflag:s0] =	ssyncadd.s32 $0xFFFFD800  }
0x68: {  	_ =	swait.ge [sflag:s10], $0x2800  }
0x69: {  	[sflag:s10] =	ssyncset.done $0x0  }
0x6a: {  	s19 =	rddreg [dreg:$0xd];
	[sflag:s10] =	ssyncadd.s32 $0xFFFFD800  }
0x6b: {  	[hbm4b:s19+s4] =	stream.linear.scatter [tilespmem:s1], [sflag:$0x5], $0x2800, $0x38;
	[tilespmem:$0x1E800] =	vst v63  }
0x6c: {  	_ =	swait.ge [sflag:s0], $0x2800  }
0x6d: {  	s16 =	sadd.s32 $0x1, s16;
	s23 =	rddreg [dreg:$0x11]  }
0x6e: {  	p0 =	sne.s32 s16, s23  }
.Ltmp1:
0x6f: {  	_ = 	snop;
	(pc) =	sbr.rel @!p0 .LBB2_8-.Ltmp1, $3  }
0x70: {  	_ =	sdelay $0x1  }
0x71: {  	[sflag:s0] =	ssyncset.done $0x0  }
0x72: {  	[sflag:s0] =	ssyncadd.s32 $0xFFFFD800  }
.LBB2_1:
0x73: {  	s17 =	rddreg [dreg:$0x4]  }
0x74: {  	[tilespmem:s1], [sflag:$0x5] =	stream.linear.gather [hbm4b:s17+s4], $0x2800, $0x38;
	[tilespmem:$0x1E800] =	vst v63  }
0x75: {  	_ =	swait.ge [sflag:s0], $0x2800  }
0x76: {  	[sflag:s0] =	ssyncset.done $0x0  }
0x77: {  	[sflag:s0] =	ssyncadd.s32 $0xFFFFD800  }
0x78: {  	[spmem:s18] =	stream.linear.scatter [tilespmem:s1], [sflag:$0x2], $0x2800, $0x38;
	[tilespmem:$0x1E800] =	vst v63  }
0x79: {  	_ = 	snop  }
0x7a: {  	[spmem:s28] =	stream.linear.scatter [tilespmem:s1], [sflag:$0x2], $0x2800, $0x38;
	[tilespmem:$0x1E800] =	vst v63  }
0x7b: {  	_ = 	snop  }
0x7c: {  	[spmem:s20] =	stream.linear.scatter [tilespmem:s1], [sflag:$0x2], $0x2800, $0x38;
	[tilespmem:$0x1E800] =	vst v63  }
0x7d: {  	_ = 	snop  }
0x7e: {  	[spmem:s29] =	stream.linear.scatter [tilespmem:s1], [sflag:$0x2], $0x2800, $0x38;
	[tilespmem:$0x1E800] =	vst v63  }
0x7f: {  	_ = 	snop  }
0x80: {  	[spmem:s21] =	stream.linear.scatter [tilespmem:s1], [sflag:$0x2], $0x2800, $0x38;
	[tilespmem:$0x1E800] =	vst v63  }
0x81: {  	_ = 	snop  }
0x82: {  	[spmem:s30] =	stream.linear.scatter [tilespmem:s1], [sflag:$0x2], $0x2800, $0x38;
	[tilespmem:$0x1E800] =	vst v63  }
0x83: {  	_ = 	snop  }
0x84: {  	[spmem:s22] =	stream.linear.scatter [tilespmem:s1], [sflag:$0x2], $0x2800, $0x38;
	[tilespmem:$0x1E800] =	vst v63  }
0x85: {  	_ = 	snop  }
0x86: {  	[spmem:s31] =	stream.linear.scatter [tilespmem:s1], [sflag:$0x2], $0x2800, $0x38;
	[tilespmem:$0x1E800] =	vst v63  }
0x87: {  	s19 =	rddreg [dreg:$0x5]  }
0x88: {  	[tilespmem:s5], [sflag:$0x1] =	stream.linear.gather [hbm4b:s19+s4], $0x1400, $0x38;
	[tilespmem:$0x1E800] =	vst v63  }
0x89: {  	s23 =	rddreg [dreg:$0xe]  }
0x8a: {  	[tilespmem:s6], [sflag:$0x1] =	stream.linear.gather [hbm4b:s23+s4], $0x1400, $0x38;
	[tilespmem:$0x1E800] =	vst v63  }
0x8b: {  	_ =	swait.ge [sflag:s7], $0x1400  }
0x8c: {  	[sflag:s7] =	ssyncset.done $0x0  }
0x8d: {  	[sflag:s7] =	ssyncadd.s32 $0xFFFFEC00  }
0x8e: {  	_ =	swait.ge [sflag:s7], $0x1400  }
0x8f: {  	[sflag:s7] =	ssyncset.done $0x0  }
0x90: {  	[sflag:s7] =	ssyncadd.s32 $0xFFFFEC00  }
0x91: {  	[tilespmem:s9], [sflag:$0x1] =	stream.indirect.gather [hbm4b:s2+s8], $0x80, s5, s8, $0xb8;
	[tilespmem:$0x1E800] =	vst v63  }
0x92: {  	_ =	swait.ge [sflag:s10], $0x2800  }
0x93: {  	[sflag:s10] =	ssyncset.done $0x0  }
0x94: {  	[sflag:s10] =	ssyncadd.s32 $0xFFFFD800  }
0x95: {  	_ =	swait.ge [sflag:s10], $0x2800  }
0x96: {  	[sflag:s10] =	ssyncset.done $0x0  }
0x97: {  	[sflag:s10] =	ssyncadd.s32 $0xFFFFD800  }
0x98: {  	_ =	swait.ge [sflag:s10], $0x2800  }
0x99: {  	[sflag:s10] =	ssyncset.done $0x0  }
0x9a: {  	[sflag:s10] =	ssyncadd.s32 $0xFFFFD800  }
0x9b: {  	_ =	swait.ge [sflag:s10], $0x2800  }
0x9c: {  	[sflag:s10] =	ssyncset.done $0x0  }
0x9d: {  	[sflag:s10] =	ssyncadd.s32 $0xFFFFD800  }
0x9e: {  	_ =	swait.ge [sflag:s10], $0x2800  }
0x9f: {  	[sflag:s10] =	ssyncset.done $0x0  }
0xa0: {  	[sflag:s10] =	ssyncadd.s32 $0xFFFFD800  }
0xa1: {  	_ =	swait.ge [sflag:s10], $0x2800  }
0xa2: {  	[sflag:s10] =	ssyncset.done $0x0  }
0xa3: {  	[sflag:s10] =	ssyncadd.s32 $0xFFFFD800  }
0xa4: {  	_ =	swait.ge [sflag:s10], $0x2800  }
0xa5: {  	[sflag:s10] =	ssyncset.done $0x0  }
0xa6: {  	[sflag:s10] =	ssyncadd.s32 $0xFFFFD800  }
0xa7: {  	_ =	swait.ge [sflag:s10], $0x2800  }
0xa8: {  	[sflag:s10] =	ssyncset.done $0x0  }
0xa9: {  	[sflag:s10] =	ssyncadd.s32 $0xFFFFD800  }
0xaa: {  	[bflag:$0x0] =	sbarrier.arrive $0xFFFF  }
0xab: {  	_ =	swait.ge [sflag:s7], $0x3E80  }
0xac: {  	[sflag:s7] =	ssyncset.done $0x0  }
0xad: {  	[sflag:s7] =	ssyncadd.s32 $0xFFFFC180  }
0xae: {  	[spmem:s3] =	stream.indirect.scatter.add.f32 [tilespmem:s9], [sflag:$0x3], $0x80, s6, s8, $0xb8;
	[tilespmem:$0x1E800] =	vst v63  }
0xaf: {  	_ = 	snop  }
0xb0: {  	[tilespmem:s1], [sflag:$0x2] =	stream.indirect.gather [hbm4b:s2+s8], $0x80, s11, s8, $0xb8;
	[tilespmem:$0x1E800] =	vst v63  }
0xb1: {  	_ =	swait.ge [sflag:s10], $0x3E80  }
0xb2: {  	[sflag:s10] =	ssyncset.done $0x0  }
0xb3: {  	[sflag:s10] =	ssyncadd.s32 $0xFFFFC180  }
0xb4: {  	[spmem:s3] =	stream.indirect.scatter.add.f32 [tilespmem:s1], [sflag:$0x4], $0x80, s12, s8, $0xb8;
	[tilespmem:$0x1E800] =	vst v63  }
0xb5: {  	_ =	swait.ge [sflag:s13], $0x3E80  }
0xb6: {  	[sflag:s13] =	ssyncset.done $0x0  }
0xb7: {  	s17 =	simm.s32 $0xFFFFB800;
	[sflag:s13] =	ssyncadd.s32 $0xFFFFC180  }
0xb8: {  	[tilespmem:s9], [sflag:$0x1] =	stream.indirect.gather [hbm4b:s2+s8], $0x80, s14, s8, $0xb8;
	[tilespmem:$0x1E800] =	vst v63  }
.LBB2_2:
0xb9: {  	_ =	swait.ge [sflag:s7], $0x3E80  }
0xba: {  	s19 =	sshra.s32 s17, $0x2;
	[sflag:s7] =	ssyncset.done $0x0  }
0xbb: {  	s23 =	sadd.s32 $0x16700, s19;
	[sflag:s7] =	ssyncadd.s32 $0xFFFFC180  }
0xbc: {  	[spmem:s3] =	stream.indirect.scatter.add.f32 [tilespmem:s9], [sflag:$0x3], $0x80, s23, s8, $0xb8;
	[tilespmem:$0x1E800] =	vst v63  }
0xbd: {  	_ =	swait.ge [sflag:s15], $0x3E80  }
0xbe: {  	[sflag:s15] =	ssyncset.done $0x0  }
0xbf: {  	s23 =	sadd.s32 $0x15380, s19;
	[sflag:s15] =	ssyncadd.s32 $0xFFFFC180  }
0xc0: {  	[tilespmem:s1], [sflag:$0x2] =	stream.indirect.gather [hbm4b:s2+s8], $0x80, s23, s8, $0xb8;
	[tilespmem:$0x1E800] =	vst v63  }
0xc1: {  	_ =	swait.ge [sflag:s10], $0x3E80  }
0xc2: {  	p0 =	seq.s32 s17, $0x0;
	[sflag:s10] =	ssyncset.done $0x0  }
.Ltmp2:
0xc3: {  	s23 =	sadd.s32 $0x16780, s19;
	[sflag:s10] =	ssyncadd.s32 $0xFFFFC180;
	(pc) =	sbr.rel @p0 .LBB2_4-.Ltmp2, $4  }
0xc4: {  	[spmem:s3] =	stream.indirect.scatter.add.f32 [tilespmem:s1], [sflag:$0x4], $0x80, s23, s8, $0xb8;
	[tilespmem:$0x1E800] =	vst v63  }
0xc5: {  	_ =	swait.ge [sflag:s13], $0x3E80  }
0xc6: {  	[sflag:s13] =	ssyncset.done $0x0  }
0xc7: {  	[sflag:s13] =	ssyncadd.s32 $0xFFFFC180  }
.Ltmp3:
0xc8: {  	(pc) =	sbr.rel .LBB2_2-.Ltmp3, $3  }
0xc9: {  	_ =	sdelay $0x1  }
0xca: {  	s19 =	sadd.s32 $0x15400, s19;
	s17 =	sadd.s32 $0x400, s17  }
0xcb: {  	[tilespmem:s9], [sflag:$0x1] =	stream.indirect.gather [hbm4b:s2+s8], $0x80, s19, s8, $0xb8;
	[tilespmem:$0x1E800] =	vst v63  }
.LBB2_4:
0xcc: {  	_ =	swait.ge [sflag:s15], $0x3E80  }
0xcd: {  	[sflag:s15] =	ssyncset.done $0x0  }
0xce: {  	s17 =	rddreg [dreg:$0xf];
	[sflag:s15] =	ssyncadd.s32 $0xFFFFC180  }
0xcf: {  	[tilespmem:s5], [sflag:$0x1] =	stream.linear.gather [hbm4b:s17+s4], $0x1400, $0x38;
	[tilespmem:$0x1E800] =	vst v63  }
0xd0: {  	s23 =	rddreg [dreg:$0x10]  }
0xd1: {  	[tilespmem:s6], [sflag:$0x1] =	stream.linear.gather [hbm4b:s23+s4], $0x1400, $0x38;
	[tilespmem:$0x1E800] =	vst v63  }
0xd2: {  	_ =	swait.ge [sflag:s7], $0x1400  }
0xd3: {  	[sflag:s7] =	ssyncset.done $0x0  }
0xd4: {  	[sflag:s7] =	ssyncadd.s32 $0xFFFFEC00  }
0xd5: {  	_ =	swait.ge [sflag:s7], $0x1400  }
0xd6: {  	[sflag:s7] =	ssyncset.done $0x0  }
0xd7: {  	[sflag:s7] =	ssyncadd.s32 $0xFFFFEC00  }
0xd8: {  	[tilespmem:s9], [sflag:$0x1] =	stream.indirect.gather [hbm4b:s2+s8], $0x80, s5, s8, $0xb8;
	[tilespmem:$0x1E800] =	vst v63  }
0xd9: {  	_ =	swait.ge [sflag:s7], $0x3E80  }
0xda: {  	[sflag:s7] =	ssyncset.done $0x0  }
0xdb: {  	[sflag:s7] =	ssyncadd.s32 $0xFFFFC180  }
0xdc: {  	[spmem:s3] =	stream.indirect.scatter.add.f32 [tilespmem:s9], [sflag:$0x3], $0x80, s6, s8, $0xb8;
	[tilespmem:$0x1E800] =	vst v63  }
0xdd: {  	_ = 	snop  }
0xde: {  	[tilespmem:s1], [sflag:$0x2] =	stream.indirect.gather [hbm4b:s2+s8], $0x80, s11, s8, $0xb8;
	[tilespmem:$0x1E800] =	vst v63  }
0xdf: {  	_ =	swait.ge [sflag:s10], $0x3E80  }
0xe0: {  	[sflag:s10] =	ssyncset.done $0x0  }
0xe1: {  	[sflag:s10] =	ssyncadd.s32 $0xFFFFC180  }
0xe2: {  	[spmem:s3] =	stream.indirect.scatter.add.f32 [tilespmem:s1], [sflag:$0x4], $0x80, s12, s8, $0xb8;
	[tilespmem:$0x1E800] =	vst v63  }
0xe3: {  	_ =	swait.ge [sflag:s13], $0x3E80  }
0xe4: {  	[sflag:s13] =	ssyncset.done $0x0  }
0xe5: {  	s17 =	simm.s32 $0xFFFFB800;
	[sflag:s13] =	ssyncadd.s32 $0xFFFFC180  }
0xe6: {  	[tilespmem:s9], [sflag:$0x1] =	stream.indirect.gather [hbm4b:s2+s8], $0x80, s14, s8, $0xb8;
	[tilespmem:$0x1E800] =	vst v63  }
.LBB2_5:
0xe7: {  	_ =	swait.ge [sflag:s7], $0x3E80  }
0xe8: {  	s19 =	sshra.s32 s17, $0x2;
	[sflag:s7] =	ssyncset.done $0x0  }
0xe9: {  	s23 =	sadd.s32 $0x16700, s19;
	[sflag:s7] =	ssyncadd.s32 $0xFFFFC180  }
0xea: {  	[spmem:s3] =	stream.indirect.scatter.add.f32 [tilespmem:s9], [sflag:$0x3], $0x80, s23, s8, $0xb8;
	[tilespmem:$0x1E800] =	vst v63  }
0xeb: {  	_ =	swait.ge [sflag:s15], $0x3E80  }
0xec: {  	[sflag:s15] =	ssyncset.done $0x0  }
0xed: {  	s23 =	sadd.s32 $0x15380, s19;
	[sflag:s15] =	ssyncadd.s32 $0xFFFFC180  }
0xee: {  	[tilespmem:s1], [sflag:$0x2] =	stream.indirect.gather [hbm4b:s2+s8], $0x80, s23, s8, $0xb8;
	[tilespmem:$0x1E800] =	vst v63  }
0xef: {  	_ =	swait.ge [sflag:s10], $0x3E80  }
0xf0: {  	p0 =	seq.s32 s17, $0x0;
	[sflag:s10] =	ssyncset.done $0x0  }
.Ltmp4:
0xf1: {  	s23 =	sadd.s32 $0x16780, s19;
	[sflag:s10] =	ssyncadd.s32 $0xFFFFC180;
	(pc) =	sbr.rel @p0 .LBB2_7-.Ltmp4, $4  }
0xf2: {  	[spmem:s3] =	stream.indirect.scatter.add.f32 [tilespmem:s1], [sflag:$0x4], $0x80, s23, s8, $0xb8;
	[tilespmem:$0x1E800] =	vst v63  }
0xf3: {  	_ =	swait.ge [sflag:s13], $0x3E80  }
0xf4: {  	[sflag:s13] =	ssyncset.done $0x0  }
0xf5: {  	[sflag:s13] =	ssyncadd.s32 $0xFFFFC180  }
.Ltmp5:
0xf6: {  	(pc) =	sbr.rel .LBB2_5-.Ltmp5, $3  }
0xf7: {  	_ =	sdelay $0x1  }
0xf8: {  	s19 =	sadd.s32 $0x15400, s19;
	s17 =	sadd.s32 $0x400, s17  }
0xf9: {  	[tilespmem:s9], [sflag:$0x1] =	stream.indirect.gather [hbm4b:s2+s8], $0x80, s19, s8, $0xb8;
	[tilespmem:$0x1E800] =	vst v63  }
.LBB2_8:
0xfa: {  	_ =	sfence.sel $0x180000  }
0xfb: {  	[bflag:$0x0] =	sbarrier.arrive $0xFFFF  }
0xfc: {  	_ =	strace $0x9000004A  }
0xfd: {  	s0 =	stileid.u32;
	[bflag:$0x2] =	sbarrier.arrive $0xFFFF  }
0xfe: {  	p0 =	sne.s32 s0, $0x0;
	s0 =	rddreg [dreg:$0x3]  }
0xff: {  	s0 =	sadd.s32 @!p0 $0x100000, s0  }
0x100: {  	[sflag:s0] =	ssyncadd.tile.s32 @!p0 $0x1;
	_ =	shalt  }
.Lfunc_end2:
_tile_overlayer_lowered:
.L_overlay_start_2:
0x101: {  	(tag) =	ssettag $0x2  }
0x102: {  	s0 =	rddreg [dreg:$0x0];
	s2 =	stileid.u32  }
0x103: {  	s1 =	rddreg [dreg:$0x1];
	p0 =	sne.s32 s2, $0x0  }
0x104: {  	s3 =	rddreg [dreg:$0x2];
	[bflag:$0x3] =	sbarrier.arrive $0xFFFF;
	s2 =	simm.s32 @!p0 $0x1C05  }
0x105: {  	[timem:s3], [sflag:s2] =	dma.local @!p0 [hbm:s0], s1  }
0x106: {  	s0 =	simm.s32 @!p0 $0x5  }
0x107: {  	_ =	swait.ge @!p0 [sflag:s0], s1  }
0x108: {  	s1 =	ssub.s32 @!p0 $0x0, s1;
	[sflag:s0] =	ssyncset.done @!p0 $0x0  }
0x109: {  	[sflag:s0] =	ssyncadd.s32 @!p0 s1  }
0x10a: {  	[bflag:$0x3] =	sbarrier.arrive $0xFFFF  }
0x10b: {  	_ =	shalt  }

</sc_bundles>
